<compile_context>
chip_gen: v7x
topology: tpu7x:2x2x1
jax: 0.10.2.dev20260603
libtpu: 0.0.44.dev20260713+nightly
codegen_flags: <defaults>
</compile_context>

<pallas_src>
import functools

import jax
import jax.numpy as jnp
from jax import lax
from jax.experimental import pallas as pl
from jax.experimental.pallas import tpu as pltpu
from jax.experimental.pallas import tpu_sc as plsc

_N = 10000
_E = 160000
_F = 256
_H = 256
_G = 64
_EPS = 1e-5

_NSUB = 16
_HALF = _H // 2
_EPT = _E // _NSUB
_K = 112
_NFULL = _EPT // _K
_TAIL = _EPT - _NFULL * _K
_ZC = 80
_RPT = 640
_RPT_LAST = _N - 15 * _RPT


def _segsum_body(xlo, xhi, src3, dst3, srct, dstt, out_lo, out_hi,
                 sidx, didx, stail, dtail, rows0, rows1, shared,
                 sem0, sem1, zsem):
    c = lax.axis_index("c")
    s = lax.axis_index("s")

    pltpu.async_copy(src3.at[s], sidx, sem0)
    pltpu.async_copy(dst3.at[s], didx, sem1)
    pltpu.sync_copy(srct.at[s], stail.at[0])
    pltpu.sync_copy(dstt.at[s], dtail.at[0])

    zvec = jnp.zeros((16,), jnp.float32)

    def zrow(r, carry):
        for k in range(_HALF // 16):
            rows0[r, pl.ds(k * 16, 16)] = zvec
        return carry
    lax.fori_loop(0, _ZC, zrow, 0)
    ncopy = jnp.where(s == _NSUB - 1, _RPT_LAST // _ZC, _RPT // _ZC)

    def zcopy(t, carry):
        pltpu.async_copy(rows0.at[pl.ds(0, _ZC)],
                         shared.at[pl.ds(s * _RPT + t * _ZC, _ZC)], zsem)
        return carry
    lax.fori_loop(0, ncopy, zcopy, 0)

    pltpu.make_async_copy(src3.at[s], sidx, sem0).wait()
    pltpu.make_async_copy(dst3.at[s], didx, sem1).wait()

    def zwait(t, carry):
        pltpu.make_async_copy(rows0.at[pl.ds(0, _ZC)],
                              shared.at[pl.ds(s * _RPT + t * _ZC, _ZC)],
                              zsem).wait()
        return carry
    lax.fori_loop(0, ncopy, zwait, 0)
    plsc.subcore_barrier()

    def half(tab, outh):
        def gather(j, buf, sem):
            pltpu.async_copy(tab.at[sidx.at[j]], buf, sem)

        def wait(j, buf, sem):
            pltpu.make_async_copy(tab.at[sidx.at[j]], buf, sem).wait()

        def scatter(j, buf):
            pltpu.sync_copy(buf, shared.at[didx.at[j]], add=True)

        gather(0, rows0, sem0)

        def chunk2(i, carry):
            j = 2 * i
            gather(j + 1, rows1, sem1)
            wait(j, rows0, sem0)
            scatter(j, rows0)
            gather(j + 2, rows0, sem0)
            wait(j + 1, rows1, sem1)
            scatter(j + 1, rows1)
            return carry
        lax.fori_loop(0, (_NFULL - 1) // 2, chunk2, 0)
        pltpu.async_copy(tab.at[stail.at[0]], rows1.at[pl.ds(0, _TAIL)], sem1)
        wait(_NFULL - 1, rows0, sem0)
        scatter(_NFULL - 1, rows0)
        pltpu.make_async_copy(tab.at[stail.at[0]], rows1.at[pl.ds(0, _TAIL)],
                              sem1).wait()
        pltpu.sync_copy(rows1.at[pl.ds(0, _TAIL)], shared.at[dtail.at[0]],
                        add=True)
        plsc.subcore_barrier()

        @pl.when(s < _NSUB - 1)
        def _():
            pltpu.sync_copy(shared.at[pl.ds(s * _RPT, _RPT)],
                            outh.at[pl.ds(s * _RPT, _RPT)])

        @pl.when(s == _NSUB - 1)
        def _():
            pltpu.sync_copy(shared.at[pl.ds(15 * _RPT, _RPT_LAST)],
                            outh.at[pl.ds(15 * _RPT, _RPT_LAST)])

    @pl.when(c == 0)
    def _():
        half(xlo, out_lo)

    @pl.when(c == 1)
    def _():
        half(xhi, out_hi)


@functools.partial(jax.jit, static_argnums=())
def _segsum(x_lo, x_hi, src3, dst3, srct, dstt):
    mesh = plsc.VectorSubcoreMesh(core_axis_name="c", subcore_axis_name="s")
    f = pl.kernel(
        _segsum_body,
        out_type=[
            jax.ShapeDtypeStruct((_N, _HALF), jnp.float32),
            jax.ShapeDtypeStruct((_N, _HALF), jnp.float32),
        ],
        scratch_types=[
            pltpu.VMEM((_NFULL, _K), jnp.int32),
            pltpu.VMEM((_NFULL, _K), jnp.int32),
            pltpu.VMEM((1, _TAIL), jnp.int32),
            pltpu.VMEM((1, _TAIL), jnp.int32),
            pltpu.VMEM((_K, _HALF), jnp.float32),
            pltpu.VMEM((_K, _HALF), jnp.float32),
            pltpu.VMEM_SHARED((_N, _HALF), jnp.float32),
            pltpu.SemaphoreType.DMA,
            pltpu.SemaphoreType.DMA,
            pltpu.SemaphoreType.DMA,
        ],
        mesh=mesh,
        compiler_params=pltpu.CompilerParams(use_tc_tiling_on_sc=False),
    )
    return f(x_lo, x_hi, src3, dst3, srct, dstt)


def _premul_tc(x_ref, wa_ref, olo_ref, ohi_ref):
    y = jnp.dot(x_ref[...].astype(jnp.bfloat16), wa_ref[...].astype(jnp.bfloat16),
                preferred_element_type=jnp.float32)
    olo_ref[...] = y[:, :_HALF]
    ohi_ref[...] = y[:, _HALF:]


def _layer1_tc(ylo_ref, yhi_ref, alo_ref, ahi_ref, ba_ref, wb_ref, bb_ref,
               g_ref, be_ref, w2a_ref, olo_ref, ohi_ref):
    zlo = jnp.maximum(ylo_ref[...] + alo_ref[...] + ba_ref[:, :_HALF], 0.0)
    zhi = jnp.maximum(yhi_ref[...] + ahi_ref[...] + ba_ref[:, _HALF:], 0.0)
    wb = wb_ref[...].astype(jnp.bfloat16)
    z = (jnp.dot(zlo.astype(jnp.bfloat16), wb[:_HALF, :],
                 preferred_element_type=jnp.float32)
         + jnp.dot(zhi.astype(jnp.bfloat16), wb[_HALF:, :],
                   preferred_element_type=jnp.float32) + bb_ref[...])
    mean = jnp.mean(z, axis=0, keepdims=True)
    var = jnp.mean(z * z, axis=0, keepdims=True) - mean * mean
    h = (z - mean) * lax.rsqrt(var + _EPS) * g_ref[...] + be_ref[...]
    h = jnp.maximum(h, 0.0)
    y2 = jnp.dot(h.astype(jnp.bfloat16), w2a_ref[...].astype(jnp.bfloat16),
                 preferred_element_type=jnp.float32)
    olo_ref[...] = y2[:, :_HALF]
    ohi_ref[...] = y2[:, _HALF:]


def _layer2_tc(ylo_ref, yhi_ref, alo_ref, ahi_ref, ba_ref, wb_ref, bb_ref,
               g_ref, be_ref, batch_ref, out_ref):
    zlo = jnp.maximum(ylo_ref[...] + alo_ref[...] + ba_ref[:, :_HALF], 0.0)
    zhi = jnp.maximum(yhi_ref[...] + ahi_ref[...] + ba_ref[:, _HALF:], 0.0)
    wb = wb_ref[...].astype(jnp.bfloat16)
    z = (jnp.dot(zlo.astype(jnp.bfloat16), wb[:_HALF, :],
                 preferred_element_type=jnp.float32)
         + jnp.dot(zhi.astype(jnp.bfloat16), wb[_HALF:, :],
                   preferred_element_type=jnp.float32) + bb_ref[...])
    mean = jnp.mean(z, axis=0, keepdims=True)
    var = jnp.mean(z * z, axis=0, keepdims=True) - mean * mean
    h = (z - mean) * lax.rsqrt(var + _EPS) * g_ref[...] + be_ref[...]
    h = jnp.maximum(h, 0.0)
    gids = lax.broadcasted_iota(jnp.int32, (_G, 1), 0)
    mask = (batch_ref[...] == gids).astype(jnp.float32)
    cnt = jnp.maximum(jnp.sum(mask, axis=1, keepdims=True), 1.0)
    out_ref[...] = jnp.dot(mask.astype(jnp.bfloat16), h.astype(jnp.bfloat16),
                           preferred_element_type=jnp.float32) / cnt


def kernel(x, edge_index, batch, W1a, b1a, W1b, b1b, g1, beta1,
           W2a, b2a, W2b, b2b, g2, beta2):
    e_src = edge_index[0].reshape(_NSUB, _EPT)
    e_dst = edge_index[1].reshape(_NSUB, _EPT)
    src3 = e_src[:, :_NFULL * _K].reshape(_NSUB, _NFULL, _K)
    dst3 = e_dst[:, :_NFULL * _K].reshape(_NSUB, _NFULL, _K)
    srct = e_src[:, _NFULL * _K:]
    dstt = e_dst[:, _NFULL * _K:]
    batch2 = batch.reshape(1, _N)

    two_half = [
        jax.ShapeDtypeStruct((_N, _HALF), jnp.float32),
        jax.ShapeDtypeStruct((_N, _HALF), jnp.float32),
    ]

    y1lo, y1hi = pl.pallas_call(_premul_tc, out_shape=two_half)(x, W1a)

    a1lo, a1hi = _segsum(y1lo, y1hi, src3, dst3, srct, dstt)

    y2lo, y2hi = pl.pallas_call(_layer1_tc, out_shape=two_half)(
        y1lo, y1hi, a1lo, a1hi, b1a.reshape(1, _H), W1b, b1b.reshape(1, _H),
        g1.reshape(1, _H), beta1.reshape(1, _H), W2a)

    a2lo, a2hi = _segsum(y2lo, y2hi, src3, dst3, srct, dstt)

    out = pl.pallas_call(
        _layer2_tc,
        out_shape=jax.ShapeDtypeStruct((_G, _H), jnp.float32),
    )(y2lo, y2hi, a2lo, a2hi, b2a.reshape(1, _H), W2b, b2b.reshape(1, _H),
      g2.reshape(1, _H), beta2.reshape(1, _H), batch2)

    return out

# --- scband reference (transcript-rebuilt; emitter-appended) ---
"""Pipeline reference for scband-ginencoder-9070970929629 (READ-ONLY COPY).

The authoritative reference and input builder live on the scoring server;
editing this copy changes nothing except your own understanding.
"""

import jax, jax.numpy as jnp
import numpy as np

N = 10000
E = 160000
F = 256
H = 256
G = 64
BN_EPS = 1e-5


def setup_inputs(seed: int = 0) -> dict:
    key = jax.random.key(seed)
    ks = jax.random.split(key, 16)
    x = jax.random.normal(ks[0], (N, F), dtype=jnp.float32)
    edge_index = jax.random.randint(ks[1], (2, E), 0, N, dtype=jnp.int32)
    batch = jnp.sort(jax.random.randint(ks[2], (N,), 0, G, dtype=jnp.int32))
    s_f = 1.0 / np.sqrt(F)
    s_h = 1.0 / np.sqrt(H)
    W1a = jax.random.normal(ks[3], (F, H), dtype=jnp.float32) * s_f
    b1a = jnp.zeros((H,), dtype=jnp.float32)
    W1b = jax.random.normal(ks[4], (H, H), dtype=jnp.float32) * s_h
    b1b = jnp.zeros((H,), dtype=jnp.float32)
    g1 = jnp.ones((H,), dtype=jnp.float32)
    beta1 = jnp.zeros((H,), dtype=jnp.float32)
    W2a = jax.random.normal(ks[5], (H, H), dtype=jnp.float32) * s_h
    b2a = jnp.zeros((H,), dtype=jnp.float32)
    W2b = jax.random.normal(ks[6], (H, H), dtype=jnp.float32) * s_h
    b2b = jnp.zeros((H,), dtype=jnp.float32)
    g2 = jnp.ones((H,), dtype=jnp.float32)
    beta2 = jnp.zeros((H,), dtype=jnp.float32)
    return {"x": x, "edge_index": edge_index, "batch": batch,
            "W1a": W1a, "b1a": b1a, "W1b": W1b, "b1b": b1b, "g1": g1, "beta1": beta1,
            "W2a": W2a, "b2a": b2a, "W2b": W2b, "b2b": b2b, "g2": g2, "beta2": beta2}


def _gin_conv(h, edge_index, Wa, ba, Wb, bb):
    # GINConv with default eps=0: out = MLP((1+eps)*x + sum_{j in N(i)} x_j)
    src = edge_index[0]
    dst = edge_index[1]
    agg = jax.ops.segment_sum(h[src], dst, num_segments=h.shape[0])
    z = h + agg
    z = jnp.maximum(z @ Wa + ba, 0.0)
    z = z @ Wb + bb
    return z


def _batchnorm_train(h, gamma, beta):
    mean = jnp.mean(h, axis=0)
    var = jnp.mean((h - mean) ** 2, axis=0)  # biased, as torch uses for normalization
    return (h - mean) / jnp.sqrt(var + BN_EPS) * gamma + beta


def _global_mean_pool(h, batch, num_graphs):
    sums = jax.ops.segment_sum(h, batch, num_segments=num_graphs)
    counts = jax.ops.segment_sum(jnp.ones((h.shape[0],), dtype=h.dtype), batch, num_segments=num_graphs)
    counts = jnp.maximum(counts, 1.0)
    return sums / counts[:, None]


def reference(x, edge_index, batch, W1a, b1a, W1b, b1b, g1, beta1, W2a, b2a, W2b, b2b, g2, beta2):
    h = _gin_conv(x, edge_index, W1a, b1a, W1b, b1b)
    h = jnp.maximum(_batchnorm_train(h, g1, beta1), 0.0)
    h = _gin_conv(h, edge_index, W2a, b2a, W2b, b2b)
    h = jnp.maximum(_batchnorm_train(h, g2, beta2), 0.0)
    return _global_mean_pool(h, batch, G)

if __name__ == "__main__":
    import jax
    _d = setup_inputs()
    print(jax.jit(kernel)(*tuple(_d.values())))

</pallas_src>

<mosaic_0001>
#map = affine_map<(d0, d1) -> (0, 0)>
#map1 = affine_map<(d0, d1) -> (0, 0, 0)>
module attributes {stable_mosaic.version = 14 : i64} {
  func.func @_segsum_body(%arg0: i32, %arg1: i32, %arg2: memref<10000x128xf32, #tpu.memory_space<hbm>>, %arg3: memref<10000x128xf32, #tpu.memory_space<hbm>>, %arg4: memref<16x89x112xi32, #tpu.memory_space<hbm>>, %arg5: memref<16x89x112xi32, #tpu.memory_space<hbm>>, %arg6: memref<16x32xi32, #tpu.memory_space<hbm>>, %arg7: memref<16x32xi32, #tpu.memory_space<hbm>>, %arg8: memref<10000x128xf32, #tpu.memory_space<hbm>>, %arg9: memref<10000x128xf32, #tpu.memory_space<hbm>>, %arg10: memref<89x112xi32, #tpu.memory_space<vmem>>, %arg11: memref<89x112xi32, #tpu.memory_space<vmem>>, %arg12: memref<1x32xi32, #tpu.memory_space<vmem>>, %arg13: memref<1x32xi32, #tpu.memory_space<vmem>>, %arg14: memref<112x128xf32, #tpu.memory_space<vmem>>, %arg15: memref<112x128xf32, #tpu.memory_space<vmem>>, %arg16: memref<10000x128xf32, #tpu.memory_space<vmem_shared>>, %arg17: memref<!tpu.dma_semaphore, #tpu.memory_space<semaphore_mem>>, %arg18: memref<!tpu.dma_semaphore, #tpu.memory_space<semaphore_mem>>, %arg19: memref<!tpu.dma_semaphore, #tpu.memory_space<semaphore_mem>>) attributes {dimension_semantics = [#tpu.dimension_semantics<core_parallel>, #tpu.dimension_semantics<subcore_parallel>], iteration_bounds = array<i64: 2, 16>, scalar_prefetch = 0 : i64, scratch_operands = 10 : i64, tpu.core_type = #tpu.core_type<sc_vector_subcore>, window_params = [{transform_indices = #map}, {transform_indices = #map}, {transform_indices = #map1}, {transform_indices = #map1}, {transform_indices = #map}, {transform_indices = #map}, {transform_indices = #map}, {transform_indices = #map}]} {
    %dma_start3A = arith.constant 0 : i32
    %dma_start3A_0 = arith.constant 0 : i32
    %dma_start3A_1 = tpu.memref_slice %arg4[%arg1, %dma_start3A, %dma_start3A_0] : memref<16x89x112xi32, #tpu.memory_space<hbm>> -> memref<1x89x112xi32, #tpu.memory_space<hbm>>
    %dma_start3A_2 = tpu.memref_squeeze %dma_start3A_1 : memref<1x89x112xi32, #tpu.memory_space<hbm>> -> memref<89x112xi32, #tpu.memory_space<hbm>>
    %dma_start3A_3 = arith.constant 0 : i32
    %dma_start3A_4 = arith.constant 0 : i32
    %dma_start3A_5 = tpu.memref_slice %arg4[%arg1, %dma_start3A_3, %dma_start3A_4] : memref<16x89x112xi32, #tpu.memory_space<hbm>> -> memref<1x89x112xi32, #tpu.memory_space<hbm>>
    %dma_start3A_6 = tpu.memref_squeeze %dma_start3A_5 : memref<1x89x112xi32, #tpu.memory_space<hbm>> -> memref<89x112xi32, #tpu.memory_space<hbm>>
    tpu.enqueue_dma source(%dma_start3A_6 : memref<89x112xi32, #tpu.memory_space<hbm>>) target(%arg10 : memref<89x112xi32, #tpu.memory_space<vmem>>) target_semaphore(%arg17 : memref<!tpu.dma_semaphore, #tpu.memory_space<semaphore_mem>>)
    %dma_start3A_7 = arith.constant 0 : i32
    %dma_start3A_8 = arith.constant 0 : i32
    %dma_start3A_9 = tpu.memref_slice %arg5[%arg1, %dma_start3A_7, %dma_start3A_8] : memref<16x89x112xi32, #tpu.memory_space<hbm>> -> memref<1x89x112xi32, #tpu.memory_space<hbm>>
    %dma_start3A_10 = tpu.memref_squeeze %dma_start3A_9 : memref<1x89x112xi32, #tpu.memory_space<hbm>> -> memref<89x112xi32, #tpu.memory_space<hbm>>
    %dma_start3A_11 = arith.constant 0 : i32
    %dma_start3A_12 = arith.constant 0 : i32
    %dma_start3A_13 = tpu.memref_slice %arg5[%arg1, %dma_start3A_11, %dma_start3A_12] : memref<16x89x112xi32, #tpu.memory_space<hbm>> -> memref<1x89x112xi32, #tpu.memory_space<hbm>>
    %dma_start3A_14 = tpu.memref_squeeze %dma_start3A_13 : memref<1x89x112xi32, #tpu.memory_space<hbm>> -> memref<89x112xi32, #tpu.memory_space<hbm>>
    tpu.enqueue_dma source(%dma_start3A_14 : memref<89x112xi32, #tpu.memory_space<hbm>>) target(%arg11 : memref<89x112xi32, #tpu.memory_space<vmem>>) target_semaphore(%arg18 : memref<!tpu.dma_semaphore, #tpu.memory_space<semaphore_mem>>)
    %run_scoped3A = arith.constant 0 : i32
    "tpu.region"() ({
      %run_scoped3A_66 = tpu.sem_alloc : memref<!tpu.dma_semaphore, #tpu.memory_space<semaphore_mem>>
      %dma_start3A_67 = arith.constant 0 : i32
      %dma_start3A_68 = tpu.memref_slice %arg12[%run_scoped3A, %dma_start3A_67] : memref<1x32xi32, #tpu.memory_space<vmem>> -> memref<1x32xi32, #tpu.memory_space<vmem>>
      %dma_start3A_69 = tpu.memref_squeeze %dma_start3A_68 : memref<1x32xi32, #tpu.memory_space<vmem>> -> memref<32xi32, #tpu.memory_space<vmem>>
      %dma_start3A_70 = arith.constant 0 : i32
      %dma_start3A_71 = tpu.memref_slice %arg6[%arg1, %dma_start3A_70] : memref<16x32xi32, #tpu.memory_space<hbm>> -> memref<1x32xi32, #tpu.memory_space<hbm>>
      %dma_start3A_72 = tpu.memref_squeeze %dma_start3A_71 : memref<1x32xi32, #tpu.memory_space<hbm>> -> memref<32xi32, #tpu.memory_space<hbm>>
      %dma_start3A_73 = arith.constant 0 : i32
      %dma_start3A_74 = tpu.memref_slice %arg12[%run_scoped3A, %dma_start3A_73] : memref<1x32xi32, #tpu.memory_space<vmem>> -> memref<1x32xi32, #tpu.memory_space<vmem>>
      %dma_start3A_75 = tpu.memref_squeeze %dma_start3A_74 : memref<1x32xi32, #tpu.memory_space<vmem>> -> memref<32xi32, #tpu.memory_space<vmem>>
      %dma_start3A_76 = arith.constant 0 : i32
      %dma_start3A_77 = tpu.memref_slice %arg6[%arg1, %dma_start3A_76] : memref<16x32xi32, #tpu.memory_space<hbm>> -> memref<1x32xi32, #tpu.memory_space<hbm>>
      %dma_start3A_78 = tpu.memref_squeeze %dma_start3A_77 : memref<1x32xi32, #tpu.memory_space<hbm>> -> memref<32xi32, #tpu.memory_space<hbm>>
      tpu.enqueue_dma source(%dma_start3A_78 : memref<32xi32, #tpu.memory_space<hbm>>) target(%dma_start3A_75 : memref<32xi32, #tpu.memory_space<vmem>>) target_semaphore(%run_scoped3A_66 : memref<!tpu.dma_semaphore, #tpu.memory_space<semaphore_mem>>)
      %dma_wait3A_79 = arith.constant 0 : i32
      %dma_wait3A_80 = tpu.memref_slice %arg12[%run_scoped3A, %dma_wait3A_79] : memref<1x32xi32, #tpu.memory_space<vmem>> -> memref<1x32xi32, #tpu.memory_space<vmem>>
      %dma_wait3A_81 = tpu.memref_squeeze %dma_wait3A_80 : memref<1x32xi32, #tpu.memory_space<vmem>> -> memref<32xi32, #tpu.memory_space<vmem>>
      %dma_wait3A_82 = arith.constant 0 : i32
      %dma_wait3A_83 = tpu.memref_slice %arg6[%arg1, %dma_wait3A_82] : memref<16x32xi32, #tpu.memory_space<hbm>> -> memref<1x32xi32, #tpu.memory_space<hbm>>
      %dma_wait3A_84 = tpu.memref_squeeze %dma_wait3A_83 : memref<1x32xi32, #tpu.memory_space<hbm>> -> memref<32xi32, #tpu.memory_space<hbm>>
      %dma_wait3A_85 = arith.constant 0 : i32
      %dma_wait3A_86 = tpu.memref_slice %arg12[%run_scoped3A, %dma_wait3A_85] : memref<1x32xi32, #tpu.memory_space<vmem>> -> memref<1x32xi32, #tpu.memory_space<vmem>>
      %dma_wait3A_87 = tpu.memref_squeeze %dma_wait3A_86 : memref<1x32xi32, #tpu.memory_space<vmem>> -> memref<32xi32, #tpu.memory_space<vmem>>
      %dma_wait3A_88 = arith.constant 0 : i32
      %dma_wait3A_89 = tpu.memref_slice %arg6[%arg1, %dma_wait3A_88] : memref<16x32xi32, #tpu.memory_space<hbm>> -> memref<1x32xi32, #tpu.memory_space<hbm>>
      %dma_wait3A_90 = tpu.memref_squeeze %dma_wait3A_89 : memref<1x32xi32, #tpu.memory_space<hbm>> -> memref<32xi32, #tpu.memory_space<hbm>>
      tpu.wait_dma2 semaphore(%run_scoped3A_66 : memref<!tpu.dma_semaphore, #tpu.memory_space<semaphore_mem>>) src(%dma_wait3A_90 : memref<32xi32, #tpu.memory_space<hbm>>) dst(%dma_wait3A_87 : memref<32xi32, #tpu.memory_space<vmem>>)
      tpu.yield
    }) : () -> ()
    %run_scoped3A_15 = arith.constant 0 : i32
    "tpu.region"() ({
      %run_scoped3A_66 = tpu.sem_alloc : memref<!tpu.dma_semaphore, #tpu.memory_space<semaphore_mem>>
      %dma_start3A_67 = arith.constant 0 : i32
      %dma_start3A_68 = tpu.memref_slice %arg13[%run_scoped3A_15, %dma_start3A_67] : memref<1x32xi32, #tpu.memory_space<vmem>> -> memref<1x32xi32, #tpu.memory_space<vmem>>
      %dma_start3A_69 = tpu.memref_squeeze %dma_start3A_68 : memref<1x32xi32, #tpu.memory_space<vmem>> -> memref<32xi32, #tpu.memory_space<vmem>>
      %dma_start3A_70 = arith.constant 0 : i32
      %dma_start3A_71 = tpu.memref_slice %arg7[%arg1, %dma_start3A_70] : memref<16x32xi32, #tpu.memory_space<hbm>> -> memref<1x32xi32, #tpu.memory_space<hbm>>
      %dma_start3A_72 = tpu.memref_squeeze %dma_start3A_71 : memref<1x32xi32, #tpu.memory_space<hbm>> -> memref<32xi32, #tpu.memory_space<hbm>>
      %dma_start3A_73 = arith.constant 0 : i32
      %dma_start3A_74 = tpu.memref_slice %arg13[%run_scoped3A_15, %dma_start3A_73] : memref<1x32xi32, #tpu.memory_space<vmem>> -> memref<1x32xi32, #tpu.memory_space<vmem>>
      %dma_start3A_75 = tpu.memref_squeeze %dma_start3A_74 : memref<1x32xi32, #tpu.memory_space<vmem>> -> memref<32xi32, #tpu.memory_space<vmem>>
      %dma_start3A_76 = arith.constant 0 : i32
      %dma_start3A_77 = tpu.memref_slice %arg7[%arg1, %dma_start3A_76] : memref<16x32xi32, #tpu.memory_space<hbm>> -> memref<1x32xi32, #tpu.memory_space<hbm>>
      %dma_start3A_78 = tpu.memref_squeeze %dma_start3A_77 : memref<1x32xi32, #tpu.memory_space<hbm>> -> memref<32xi32, #tpu.memory_space<hbm>>
      tpu.enqueue_dma source(%dma_start3A_78 : memref<32xi32, #tpu.memory_space<hbm>>) target(%dma_start3A_75 : memref<32xi32, #tpu.memory_space<vmem>>) target_semaphore(%run_scoped3A_66 : memref<!tpu.dma_semaphore, #tpu.memory_space<semaphore_mem>>)
      %dma_wait3A_79 = arith.constant 0 : i32
      %dma_wait3A_80 = tpu.memref_slice %arg13[%run_scoped3A_15, %dma_wait3A_79] : memref<1x32xi32, #tpu.memory_space<vmem>> -> memref<1x32xi32, #tpu.memory_space<vmem>>
      %dma_wait3A_81 = tpu.memref_squeeze %dma_wait3A_80 : memref<1x32xi32, #tpu.memory_space<vmem>> -> memref<32xi32, #tpu.memory_space<vmem>>
      %dma_wait3A_82 = arith.constant 0 : i32
      %dma_wait3A_83 = tpu.memref_slice %arg7[%arg1, %dma_wait3A_82] : memref<16x32xi32, #tpu.memory_space<hbm>> -> memref<1x32xi32, #tpu.memory_space<hbm>>
      %dma_wait3A_84 = tpu.memref_squeeze %dma_wait3A_83 : memref<1x32xi32, #tpu.memory_space<hbm>> -> memref<32xi32, #tpu.memory_space<hbm>>
      %dma_wait3A_85 = arith.constant 0 : i32
      %dma_wait3A_86 = tpu.memref_slice %arg13[%run_scoped3A_15, %dma_wait3A_85] : memref<1x32xi32, #tpu.memory_space<vmem>> -> memref<1x32xi32, #tpu.memory_space<vmem>>
      %dma_wait3A_87 = tpu.memref_squeeze %dma_wait3A_86 : memref<1x32xi32, #tpu.memory_space<vmem>> -> memref<32xi32, #tpu.memory_space<vmem>>
      %dma_wait3A_88 = arith.constant 0 : i32
      %dma_wait3A_89 = tpu.memref_slice %arg7[%arg1, %dma_wait3A_88] : memref<16x32xi32, #tpu.memory_space<hbm>> -> memref<1x32xi32, #tpu.memory_space<hbm>>
      %dma_wait3A_90 = tpu.memref_squeeze %dma_wait3A_89 : memref<1x32xi32, #tpu.memory_space<hbm>> -> memref<32xi32, #tpu.memory_space<hbm>>
      tpu.wait_dma2 semaphore(%run_scoped3A_66 : memref<!tpu.dma_semaphore, #tpu.memory_space<semaphore_mem>>) src(%dma_wait3A_90 : memref<32xi32, #tpu.memory_space<hbm>>) dst(%dma_wait3A_87 : memref<32xi32, #tpu.memory_space<vmem>>)
      tpu.yield
    }) : () -> ()
    %broadcast_in_dim3A = arith.constant 0.000000e+00 : f32
    %broadcast_in_dim3A_16 = vector.broadcast %broadcast_in_dim3A : f32 to vector<16xf32>
    %scan3A = arith.constant 0 : i32
    %scan3A_17 = arith.constant 0 : i32
    %scan3A_18 = arith.constant 80 : i32
    %scan3A_19 = arith.addi %scan3A_17, %scan3A_18 : i32
    %scan3A_20 = arith.constant 1 : i32
    scf.for %scan3A_66 = %scan3A_17 to %scan3A_19 step %scan3A_20  : i32 {
      %swap3A = arith.index_cast %scan3A_66 : i32 to index
      %swap3A_67 = arith.constant 0 : index
      %swap3A_68 = tpu.vector_load %arg14[%swap3A, %swap3A_67] {strides = array<i32>} : memref<112x128xf32, #tpu.memory_space<vmem>>, vector<1x16xf32>,
      %swap3A_69 = vector.shape_cast %swap3A_68 : vector<1x16xf32> to vector<16xf32>
      %swap3A_70 = vector.shape_cast %broadcast_in_dim3A_16 : vector<16xf32> to vector<1x16xf32>
      tpu.vector_store %arg14[%swap3A, %swap3A_67], %swap3A_70 {strides = array<i32>} : memref<112x128xf32, #tpu.memory_space<vmem>>, vector<1x16xf32>,
      %swap3A_71 = arith.index_cast %scan3A_66 : i32 to index
      %swap3A_72 = arith.constant 16 : index
      %swap3A_73 = tpu.vector_load %arg14[%swap3A_71, %swap3A_72] {strides = array<i32>} : memref<112x128xf32, #tpu.memory_space<vmem>>, vector<1x16xf32>,
      %swap3A_74 = vector.shape_cast %swap3A_73 : vector<1x16xf32> to vector<16xf32>
      %swap3A_75 = vector.shape_cast %broadcast_in_dim3A_16 : vector<16xf32> to vector<1x16xf32>
      tpu.vector_store %arg14[%swap3A_71, %swap3A_72], %swap3A_75 {strides = array<i32>} : memref<112x128xf32, #tpu.memory_space<vmem>>, vector<1x16xf32>,
      %swap3A_76 = arith.index_cast %scan3A_66 : i32 to index
      %swap3A_77 = arith.constant 32 : index
      %swap3A_78 = tpu.vector_load %arg14[%swap3A_76, %swap3A_77] {strides = array<i32>} : memref<112x128xf32, #tpu.memory_space<vmem>>, vector<1x16xf32>,
      %swap3A_79 = vector.shape_cast %swap3A_78 : vector<1x16xf32> to vector<16xf32>
      %swap3A_80 = vector.shape_cast %broadcast_in_dim3A_16 : vector<16xf32> to vector<1x16xf32>
      tpu.vector_store %arg14[%swap3A_76, %swap3A_77], %swap3A_80 {strides = array<i32>} : memref<112x128xf32, #tpu.memory_space<vmem>>, vector<1x16xf32>,
      %swap3A_81 = arith.index_cast %scan3A_66 : i32 to index
      %swap3A_82 = arith.constant 48 : index
      %swap3A_83 = tpu.vector_load %arg14[%swap3A_81, %swap3A_82] {strides = array<i32>} : memref<112x128xf32, #tpu.memory_space<vmem>>, vector<1x16xf32>,
      %swap3A_84 = vector.shape_cast %swap3A_83 : vector<1x16xf32> to vector<16xf32>
      %swap3A_85 = vector.shape_cast %broadcast_in_dim3A_16 : vector<16xf32> to vector<1x16xf32>
      tpu.vector_store %arg14[%swap3A_81, %swap3A_82], %swap3A_85 {strides = array<i32>} : memref<112x128xf32, #tpu.memory_space<vmem>>, vector<1x16xf32>,
      %swap3A_86 = arith.index_cast %scan3A_66 : i32 to index
      %swap3A_87 = arith.constant 64 : index
      %swap3A_88 = tpu.vector_load %arg14[%swap3A_86, %swap3A_87] {strides = array<i32>} : memref<112x128xf32, #tpu.memory_space<vmem>>, vector<1x16xf32>,
      %swap3A_89 = vector.shape_cast %swap3A_88 : vector<1x16xf32> to vector<16xf32>
      %swap3A_90 = vector.shape_cast %broadcast_in_dim3A_16 : vector<16xf32> to vector<1x16xf32>
      tpu.vector_store %arg14[%swap3A_86, %swap3A_87], %swap3A_90 {strides = array<i32>} : memref<112x128xf32, #tpu.memory_space<vmem>>, vector<1x16xf32>,
      %swap3A_91 = arith.index_cast %scan3A_66 : i32 to index
      %swap3A_92 = arith.constant 80 : index
      %swap3A_93 = tpu.vector_load %arg14[%swap3A_91, %swap3A_92] {strides = array<i32>} : memref<112x128xf32, #tpu.memory_space<vmem>>, vector<1x16xf32>,
      %swap3A_94 = vector.shape_cast %swap3A_93 : vector<1x16xf32> to vector<16xf32>
      %swap3A_95 = vector.shape_cast %broadcast_in_dim3A_16 : vector<16xf32> to vector<1x16xf32>
      tpu.vector_store %arg14[%swap3A_91, %swap3A_92], %swap3A_95 {strides = array<i32>} : memref<112x128xf32, #tpu.memory_space<vmem>>, vector<1x16xf32>,
      %swap3A_96 = arith.index_cast %scan3A_66 : i32 to index
      %swap3A_97 = arith.constant 96 : index
      %swap3A_98 = tpu.vector_load %arg14[%swap3A_96, %swap3A_97] {strides = array<i32>} : memref<112x128xf32, #tpu.memory_space<vmem>>, vector<1x16xf32>,
      %swap3A_99 = vector.shape_cast %swap3A_98 : vector<1x16xf32> to vector<16xf32>
      %swap3A_100 = vector.shape_cast %broadcast_in_dim3A_16 : vector<16xf32> to vector<1x16xf32>
      tpu.vector_store %arg14[%swap3A_96, %swap3A_97], %swap3A_100 {strides = array<i32>} : memref<112x128xf32, #tpu.memory_space<vmem>>, vector<1x16xf32>,
      %swap3A_101 = arith.index_cast %scan3A_66 : i32 to index
      %swap3A_102 = arith.constant 112 : index
      %swap3A_103 = tpu.vector_load %arg14[%swap3A_101, %swap3A_102] {strides = array<i32>} : memref<112x128xf32, #tpu.memory_space<vmem>>, vector<1x16xf32>,
      %swap3A_104 = vector.shape_cast %swap3A_103 : vector<1x16xf32> to vector<16xf32>
      %swap3A_105 = vector.shape_cast %broadcast_in_dim3A_16 : vector<16xf32> to vector<1x16xf32>
      tpu.vector_store %arg14[%swap3A_101, %swap3A_102], %swap3A_105 {strides = array<i32>} : memref<112x128xf32, #tpu.memory_space<vmem>>, vector<1x16xf32>,
    }
    %scan3A_21 = arith.constant 80 : i32
    %eq3A = arith.constant 15 : i32
    %eq3A_22 = arith.cmpi eq, %arg1, %eq3A : i32
    %jit3A = arith.constant 5 : i32
    %jit3A_23 = arith.constant 8 : i32
    %select_n3A = arith.select %eq3A_22, %jit3A, %jit3A_23 : i32
    %while3A = arith.constant 0 : i32
    %while3A_24 = arith.constant 0 : i32
    %while3A_25 = arith.subi %select_n3A, %while3A_24 : i32
    %while3A_26 = arith.addi %while3A_24, %while3A_25 : i32
    %while3A_27 = arith.constant 1 : i32
    %while3A_28 = arith.divsi %while3A_25, %while3A_27 : i32
    %while3A_29 = arith.muli %while3A_28, %while3A_27 : i32
    %while3A_30 = arith.addi %while3A_24, %while3A_29 : i32
    %while3A_31 = arith.constant 1 : i32
    scf.for %while3A_66 = %while3A_24 to %while3A_30 step %while3A_31  : i32 {
      %mul3A = arith.constant 640 : i32
      %mul3A_67 = arith.muli %arg1, %mul3A : i32
      %mul3A_68 = arith.constant 80 : i32
      %mul3A_69 = arith.muli %while3A_66, %mul3A_68 : i32
      %add3A = arith.addi %mul3A_67, %mul3A_69 : i32
      %dma_start3A_70 = arith.constant 0 : i32
      %dma_start3A_71 = arith.constant 0 : i32
      %dma_start3A_72 = tpu.memref_slice %arg14[%dma_start3A_70, %dma_start3A_71] : memref<112x128xf32, #tpu.memory_space<vmem>> -> memref<80x128xf32, #tpu.memory_space<vmem>>
      %dma_start3A_73 = arith.constant 0 : i32
      %dma_start3A_74 = tpu.memref_slice %arg16[%add3A, %dma_start3A_73] : memref<10000x128xf32, #tpu.memory_space<vmem_shared>> -> memref<80x128xf32, #tpu.memory_space<vmem_shared>>
      %dma_start3A_75 = arith.constant 0 : i32
      %dma_start3A_76 = tpu.memref_slice %arg16[%add3A, %dma_start3A_75] : memref<10000x128xf32, #tpu.memory_space<vmem_shared>> -> memref<80x128xf32, #tpu.memory_space<vmem_shared>>
      %dma_start3A_77 = arith.constant 0 : i32
      %dma_start3A_78 = arith.constant 0 : i32
      %dma_start3A_79 = tpu.memref_slice %arg14[%dma_start3A_77, %dma_start3A_78] : memref<112x128xf32, #tpu.memory_space<vmem>> -> memref<80x128xf32, #tpu.memory_space<vmem>>
      tpu.enqueue_dma source(%dma_start3A_79 : memref<80x128xf32, #tpu.memory_space<vmem>>) target(%dma_start3A_76 : memref<80x128xf32, #tpu.memory_space<vmem_shared>>) target_semaphore(%arg19 : memref<!tpu.dma_semaphore, #tpu.memory_space<semaphore_mem>>)
    }
    %while3A_32 = arith.constant 1 : i32
    scf.for %while3A_66 = %while3A_30 to %while3A_26 step %while3A_32  : i32 {
      %mul3A = arith.constant 640 : i32
      %mul3A_67 = arith.muli %arg1, %mul3A : i32
      %mul3A_68 = arith.constant 80 : i32
      %mul3A_69 = arith.muli %while3A_66, %mul3A_68 : i32
      %add3A = arith.addi %mul3A_67, %mul3A_69 : i32
      %dma_start3A_70 = arith.constant 0 : i32
      %dma_start3A_71 = arith.constant 0 : i32
      %dma_start3A_72 = tpu.memref_slice %arg14[%dma_start3A_70, %dma_start3A_71] : memref<112x128xf32, #tpu.memory_space<vmem>> -> memref<80x128xf32, #tpu.memory_space<vmem>>
      %dma_start3A_73 = arith.constant 0 : i32
      %dma_start3A_74 = tpu.memref_slice %arg16[%add3A, %dma_start3A_73] : memref<10000x128xf32, #tpu.memory_space<vmem_shared>> -> memref<80x128xf32, #tpu.memory_space<vmem_shared>>
      %dma_start3A_75 = arith.constant 0 : i32
      %dma_start3A_76 = tpu.memref_slice %arg16[%add3A, %dma_start3A_75] : memref<10000x128xf32, #tpu.memory_space<vmem_shared>> -> memref<80x128xf32, #tpu.memory_space<vmem_shared>>
      %dma_start3A_77 = arith.constant 0 : i32
      %dma_start3A_78 = arith.constant 0 : i32
      %dma_start3A_79 = tpu.memref_slice %arg14[%dma_start3A_77, %dma_start3A_78] : memref<112x128xf32, #tpu.memory_space<vmem>> -> memref<80x128xf32, #tpu.memory_space<vmem>>
      tpu.enqueue_dma source(%dma_start3A_79 : memref<80x128xf32, #tpu.memory_space<vmem>>) target(%dma_start3A_76 : memref<80x128xf32, #tpu.memory_space<vmem_shared>>) target_semaphore(%arg19 : memref<!tpu.dma_semaphore, #tpu.memory_space<semaphore_mem>>)
    }
    %dma_wait3A = arith.constant 0 : i32
    %dma_wait3A_33 = arith.constant 0 : i32
    %dma_wait3A_34 = tpu.memref_slice %arg4[%arg1, %dma_wait3A, %dma_wait3A_33] : memref<16x89x112xi32, #tpu.memory_space<hbm>> -> memref<1x89x112xi32, #tpu.memory_space<hbm>>
    %dma_wait3A_35 = tpu.memref_squeeze %dma_wait3A_34 : memref<1x89x112xi32, #tpu.memory_space<hbm>> -> memref<89x112xi32, #tpu.memory_space<hbm>>
    %dma_wait3A_36 = arith.constant 0 : i32
    %dma_wait3A_37 = arith.constant 0 : i32
    %dma_wait3A_38 = tpu.memref_slice %arg4[%arg1, %dma_wait3A_36, %dma_wait3A_37] : memref<16x89x112xi32, #tpu.memory_space<hbm>> -> memref<1x89x112xi32, #tpu.memory_space<hbm>>
    %dma_wait3A_39 = tpu.memref_squeeze %dma_wait3A_38 : memref<1x89x112xi32, #tpu.memory_space<hbm>> -> memref<89x112xi32, #tpu.memory_space<hbm>>
    tpu.wait_dma2 semaphore(%arg17 : memref<!tpu.dma_semaphore, #tpu.memory_space<semaphore_mem>>) src(%dma_wait3A_39 : memref<89x112xi32, #tpu.memory_space<hbm>>) dst(%arg10 : memref<89x112xi32, #tpu.memory_space<vmem>>)
    %dma_wait3A_40 = arith.constant 0 : i32
    %dma_wait3A_41 = arith.constant 0 : i32
    %dma_wait3A_42 = tpu.memref_slice %arg5[%arg1, %dma_wait3A_40, %dma_wait3A_41] : memref<16x89x112xi32, #tpu.memory_space<hbm>> -> memref<1x89x112xi32, #tpu.memory_space<hbm>>
    %dma_wait3A_43 = tpu.memref_squeeze %dma_wait3A_42 : memref<1x89x112xi32, #tpu.memory_space<hbm>> -> memref<89x112xi32, #tpu.memory_space<hbm>>
    %dma_wait3A_44 = arith.constant 0 : i32
    %dma_wait3A_45 = arith.constant 0 : i32
    %dma_wait3A_46 = tpu.memref_slice %arg5[%arg1, %dma_wait3A_44, %dma_wait3A_45] : memref<16x89x112xi32, #tpu.memory_space<hbm>> -> memref<1x89x112xi32, #tpu.memory_space<hbm>>
    %dma_wait3A_47 = tpu.memref_squeeze %dma_wait3A_46 : memref<1x89x112xi32, #tpu.memory_space<hbm>> -> memref<89x112xi32, #tpu.memory_space<hbm>>
    tpu.wait_dma2 semaphore(%arg18 : memref<!tpu.dma_semaphore, #tpu.memory_space<semaphore_mem>>) src(%dma_wait3A_47 : memref<89x112xi32, #tpu.memory_space<hbm>>) dst(%arg11 : memref<89x112xi32, #tpu.memory_space<vmem>>)
    %while3A_48 = arith.constant 0 : i32
    %while3A_49 = arith.constant 0 : i32
    %while3A_50 = arith.subi %select_n3A, %while3A_49 : i32
    %while3A_51 = arith.addi %while3A_49, %while3A_50 : i32
    %while3A_52 = arith.constant 1 : i32
    %while3A_53 = arith.divsi %while3A_50, %while3A_52 : i32
    %while3A_54 = arith.muli %while3A_53, %while3A_52 : i32
    %while3A_55 = arith.addi %while3A_49, %while3A_54 : i32
    %while3A_56 = arith.constant 1 : i32
    scf.for %while3A_66 = %while3A_49 to %while3A_55 step %while3A_56  : i32 {
      %mul3A = arith.constant 640 : i32
      %mul3A_67 = arith.muli %arg1, %mul3A : i32
      %mul3A_68 = arith.constant 80 : i32
      %mul3A_69 = arith.muli %while3A_66, %mul3A_68 : i32
      %add3A = arith.addi %mul3A_67, %mul3A_69 : i32
      %dma_wait3A_70 = arith.constant 0 : i32
      %dma_wait3A_71 = arith.constant 0 : i32
      %dma_wait3A_72 = tpu.memref_slice %arg14[%dma_wait3A_70, %dma_wait3A_71] : memref<112x128xf32, #tpu.memory_space<vmem>> -> memref<80x128xf32, #tpu.memory_space<vmem>>
      %dma_wait3A_73 = arith.constant 0 : i32
      %dma_wait3A_74 = tpu.memref_slice %arg16[%add3A, %dma_wait3A_73] : memref<10000x128xf32, #tpu.memory_space<vmem_shared>> -> memref<80x128xf32, #tpu.memory_space<vmem_shared>>
      %dma_wait3A_75 = arith.constant 0 : i32
      %dma_wait3A_76 = tpu.memref_slice %arg16[%add3A, %dma_wait3A_75] : memref<10000x128xf32, #tpu.memory_space<vmem_shared>> -> memref<80x128xf32, #tpu.memory_space<vmem_shared>>
      %dma_wait3A_77 = arith.constant 0 : i32
      %dma_wait3A_78 = arith.constant 0 : i32
      %dma_wait3A_79 = tpu.memref_slice %arg14[%dma_wait3A_77, %dma_wait3A_78] : memref<112x128xf32, #tpu.memory_space<vmem>> -> memref<80x128xf32, #tpu.memory_space<vmem>>
      tpu.wait_dma2 semaphore(%arg19 : memref<!tpu.dma_semaphore, #tpu.memory_space<semaphore_mem>>) src(%dma_wait3A_79 : memref<80x128xf32, #tpu.memory_space<vmem>>) dst(%dma_wait3A_76 : memref<80x128xf32, #tpu.memory_space<vmem_shared>>)
    }
    %while3A_57 = arith.constant 1 : i32
    scf.for %while3A_66 = %while3A_55 to %while3A_51 step %while3A_57  : i32 {
      %mul3A = arith.constant 640 : i32
      %mul3A_67 = arith.muli %arg1, %mul3A : i32
      %mul3A_68 = arith.constant 80 : i32
      %mul3A_69 = arith.muli %while3A_66, %mul3A_68 : i32
      %add3A = arith.addi %mul3A_67, %mul3A_69 : i32
      %dma_wait3A_70 = arith.constant 0 : i32
      %dma_wait3A_71 = arith.constant 0 : i32
      %dma_wait3A_72 = tpu.memref_slice %arg14[%dma_wait3A_70, %dma_wait3A_71] : memref<112x128xf32, #tpu.memory_space<vmem>> -> memref<80x128xf32, #tpu.memory_space<vmem>>
      %dma_wait3A_73 = arith.constant 0 : i32
      %dma_wait3A_74 = tpu.memref_slice %arg16[%add3A, %dma_wait3A_73] : memref<10000x128xf32, #tpu.memory_space<vmem_shared>> -> memref<80x128xf32, #tpu.memory_space<vmem_shared>>
      %dma_wait3A_75 = arith.constant 0 : i32
      %dma_wait3A_76 = tpu.memref_slice %arg16[%add3A, %dma_wait3A_75] : memref<10000x128xf32, #tpu.memory_space<vmem_shared>> -> memref<80x128xf32, #tpu.memory_space<vmem_shared>>
      %dma_wait3A_77 = arith.constant 0 : i32
      %dma_wait3A_78 = arith.constant 0 : i32
      %dma_wait3A_79 = tpu.memref_slice %arg14[%dma_wait3A_77, %dma_wait3A_78] : memref<112x128xf32, #tpu.memory_space<vmem>> -> memref<80x128xf32, #tpu.memory_space<vmem>>
      tpu.wait_dma2 semaphore(%arg19 : memref<!tpu.dma_semaphore, #tpu.memory_space<semaphore_mem>>) src(%dma_wait3A_79 : memref<80x128xf32, #tpu.memory_space<vmem>>) dst(%dma_wait3A_76 : memref<80x128xf32, #tpu.memory_space<vmem_shared>>)
    }
    %barrier3A = arith.constant 0 : index
    tpu.barrier barrier_id(%barrier3A)
    %eq3A_58 = arith.constant 0 : i32
    %eq3A_59 = arith.cmpi eq, %arg0, %eq3A_58 : i32
    %convert_element_type3A = arith.extui %eq3A_59 : i1 to i32
    %cond3A = arith.constant 0 : i32
    %cond3A_60 = arith.cmpi ne, %convert_element_type3A, %cond3A : i32
    scf.if %cond3A_60 {
      %dma_start3A_66 = arith.constant 0 : i32
      %dma_start3A_67 = arith.constant 0 : i32
      %dma_start3A_68 = tpu.memref_slice %arg10[%dma_start3A_66, %dma_start3A_67] : memref<89x112xi32, #tpu.memory_space<vmem>> -> memref<1x112xi32, #tpu.memory_space<vmem>>
      %dma_start3A_69 = tpu.memref_squeeze %dma_start3A_68 : memref<1x112xi32, #tpu.memory_space<vmem>> -> memref<112xi32, #tpu.memory_space<vmem>>
      %dma_start3A_70 = arith.constant 0 : i32
      %dma_start3A_71 = arith.constant 0 : i32
      %dma_start3A_72 = tpu.memref_slice %arg2[%dma_start3A_70, %dma_start3A_71] : memref<10000x128xf32, #tpu.memory_space<hbm>> -> memref<10000x128xf32, #tpu.memory_space<hbm>>
      tpu.enqueue_indirect_dma source(%dma_start3A_72 : memref<10000x128xf32, #tpu.memory_space<hbm>>) target(%arg14 : memref<112x128xf32, #tpu.memory_space<vmem>>) offsets(%dma_start3A_69 : memref<112xi32, #tpu.memory_space<vmem>>) semaphore(%arg17 : memref<!tpu.dma_semaphore, #tpu.memory_space<semaphore_mem>>)
      %scan3A_73 = arith.constant 0 : i32
      %scan3A_74 = arith.constant 0 : i32
      %scan3A_75 = arith.constant 44 : i32
      %scan3A_76 = arith.addi %scan3A_74, %scan3A_75 : i32
      %scan3A_77 = arith.constant 1 : i32
      scf.for %scan3A_118 = %scan3A_74 to %scan3A_76 step %scan3A_77  : i32 {
        %mul3A = arith.constant 2 : i32
        %mul3A_119 = arith.muli %mul3A, %scan3A_118 : i32
        %add3A = arith.constant 1 : i32
        %add3A_120 = arith.addi %mul3A_119, %add3A : i32
        %dma_start3A_121 = arith.constant 0 : i32
        %dma_start3A_122 = tpu.memref_slice %arg10[%add3A_120, %dma_start3A_121] : memref<89x112xi32, #tpu.memory_space<vmem>> -> memref<1x112xi32, #tpu.memory_space<vmem>>
        %dma_start3A_123 = tpu.memref_squeeze %dma_start3A_122 : memref<1x112xi32, #tpu.memory_space<vmem>> -> memref<112xi32, #tpu.memory_space<vmem>>
        %dma_start3A_124 = arith.constant 0 : i32
        %dma_start3A_125 = arith.constant 0 : i32
        %dma_start3A_126 = tpu.memref_slice %arg2[%dma_start3A_124, %dma_start3A_125] : memref<10000x128xf32, #tpu.memory_space<hbm>> -> memref<10000x128xf32, #tpu.memory_space<hbm>>
        tpu.enqueue_indirect_dma source(%dma_start3A_126 : memref<10000x128xf32, #tpu.memory_space<hbm>>) target(%arg15 : memref<112x128xf32, #tpu.memory_space<vmem>>) offsets(%dma_start3A_123 : memref<112xi32, #tpu.memory_space<vmem>>) semaphore(%arg18 : memref<!tpu.dma_semaphore, #tpu.memory_space<semaphore_mem>>)
        %dma_wait3A_127 = arith.constant 0 : i32
        %dma_wait3A_128 = tpu.memref_slice %arg10[%mul3A_119, %dma_wait3A_127] : memref<89x112xi32, #tpu.memory_space<vmem>> -> memref<1x112xi32, #tpu.memory_space<vmem>>
        %dma_wait3A_129 = tpu.memref_squeeze %dma_wait3A_128 : memref<1x112xi32, #tpu.memory_space<vmem>> -> memref<112xi32, #tpu.memory_space<vmem>>
        %dma_wait3A_130 = arith.constant 0 : i32
        %dma_wait3A_131 = arith.constant 0 : i32
        %dma_wait3A_132 = tpu.memref_slice %arg2[%dma_wait3A_130, %dma_wait3A_131] : memref<10000x128xf32, #tpu.memory_space<hbm>> -> memref<10000x128xf32, #tpu.memory_space<hbm>>
        tpu.wait_indirect_dma semaphore(%arg17 : memref<!tpu.dma_semaphore, #tpu.memory_space<semaphore_mem>>) src(%dma_wait3A_132 : memref<10000x128xf32, #tpu.memory_space<hbm>>) dst(%arg14 : memref<112x128xf32, #tpu.memory_space<vmem>>)
        "tpu.region"() ({
          %run_scoped3A_151 = tpu.sem_alloc : memref<!tpu.dma_semaphore, #tpu.memory_space<semaphore_mem>>
          %dma_start3A_152 = arith.constant 0 : i32
          %dma_start3A_153 = tpu.memref_slice %arg11[%mul3A_119, %dma_start3A_152] : memref<89x112xi32, #tpu.memory_space<vmem>> -> memref<1x112xi32, #tpu.memory_space<vmem>>
          %dma_start3A_154 = tpu.memref_squeeze %dma_start3A_153 : memref<1x112xi32, #tpu.memory_space<vmem>> -> memref<112xi32, #tpu.memory_space<vmem>>
          %dma_start3A_155 = arith.constant 0 : i32
          %dma_start3A_156 = arith.constant 0 : i32
          %dma_start3A_157 = tpu.memref_slice %arg16[%dma_start3A_155, %dma_start3A_156] : memref<10000x128xf32, #tpu.memory_space<vmem_shared>> -> memref<10000x128xf32, #tpu.memory_space<vmem_shared>>
          tpu.enqueue_indirect_dma source(%arg14 : memref<112x128xf32, #tpu.memory_space<vmem>>) target(%dma_start3A_157 : memref<10000x128xf32, #tpu.memory_space<vmem_shared>>) offsets(%dma_start3A_154 : memref<112xi32, #tpu.memory_space<vmem>>) semaphore(%run_scoped3A_151 : memref<!tpu.dma_semaphore, #tpu.memory_space<semaphore_mem>>) {add = true}
          %dma_wait3A_158 = arith.constant 0 : i32
          %dma_wait3A_159 = tpu.memref_slice %arg11[%mul3A_119, %dma_wait3A_158] : memref<89x112xi32, #tpu.memory_space<vmem>> -> memref<1x112xi32, #tpu.memory_space<vmem>>
          %dma_wait3A_160 = tpu.memref_squeeze %dma_wait3A_159 : memref<1x112xi32, #tpu.memory_space<vmem>> -> memref<112xi32, #tpu.memory_space<vmem>>
          %dma_wait3A_161 = arith.constant 0 : i32
          %dma_wait3A_162 = arith.constant 0 : i32
          %dma_wait3A_163 = tpu.memref_slice %arg16[%dma_wait3A_161, %dma_wait3A_162] : memref<10000x128xf32, #tpu.memory_space<vmem_shared>> -> memref<10000x128xf32, #tpu.memory_space<vmem_shared>>
          tpu.wait_indirect_dma semaphore(%run_scoped3A_151 : memref<!tpu.dma_semaphore, #tpu.memory_space<semaphore_mem>>) src(%arg14 : memref<112x128xf32, #tpu.memory_space<vmem>>) dst(%dma_wait3A_163 : memref<10000x128xf32, #tpu.memory_space<vmem_shared>>)
          tpu.yield
        }) : () -> ()
        %add3A_133 = arith.constant 2 : i32
        %add3A_134 = arith.addi %mul3A_119, %add3A_133 : i32
        %dma_start3A_135 = arith.constant 0 : i32
        %dma_start3A_136 = tpu.memref_slice %arg10[%add3A_134, %dma_start3A_135] : memref<89x112xi32, #tpu.memory_space<vmem>> -> memref<1x112xi32, #tpu.memory_space<vmem>>
        %dma_start3A_137 = tpu.memref_squeeze %dma_start3A_136 : memref<1x112xi32, #tpu.memory_space<vmem>> -> memref<112xi32, #tpu.memory_space<vmem>>
        %dma_start3A_138 = arith.constant 0 : i32
        %dma_start3A_139 = arith.constant 0 : i32
        %dma_start3A_140 = tpu.memref_slice %arg2[%dma_start3A_138, %dma_start3A_139] : memref<10000x128xf32, #tpu.memory_space<hbm>> -> memref<10000x128xf32, #tpu.memory_space<hbm>>
        tpu.enqueue_indirect_dma source(%dma_start3A_140 : memref<10000x128xf32, #tpu.memory_space<hbm>>) target(%arg14 : memref<112x128xf32, #tpu.memory_space<vmem>>) offsets(%dma_start3A_137 : memref<112xi32, #tpu.memory_space<vmem>>) semaphore(%arg17 : memref<!tpu.dma_semaphore, #tpu.memory_space<semaphore_mem>>)
        %add3A_141 = arith.constant 1 : i32
        %add3A_142 = arith.addi %mul3A_119, %add3A_141 : i32
        %dma_wait3A_143 = arith.constant 0 : i32
        %dma_wait3A_144 = tpu.memref_slice %arg10[%add3A_142, %dma_wait3A_143] : memref<89x112xi32, #tpu.memory_space<vmem>> -> memref<1x112xi32, #tpu.memory_space<vmem>>
        %dma_wait3A_145 = tpu.memref_squeeze %dma_wait3A_144 : memref<1x112xi32, #tpu.memory_space<vmem>> -> memref<112xi32, #tpu.memory_space<vmem>>
        %dma_wait3A_146 = arith.constant 0 : i32
        %dma_wait3A_147 = arith.constant 0 : i32
        %dma_wait3A_148 = tpu.memref_slice %arg2[%dma_wait3A_146, %dma_wait3A_147] : memref<10000x128xf32, #tpu.memory_space<hbm>> -> memref<10000x128xf32, #tpu.memory_space<hbm>>
        tpu.wait_indirect_dma semaphore(%arg18 : memref<!tpu.dma_semaphore, #tpu.memory_space<semaphore_mem>>) src(%dma_wait3A_148 : memref<10000x128xf32, #tpu.memory_space<hbm>>) dst(%arg15 : memref<112x128xf32, #tpu.memory_space<vmem>>)
        %add3A_149 = arith.constant 1 : i32
        %add3A_150 = arith.addi %mul3A_119, %add3A_149 : i32
        "tpu.region"() ({
          %run_scoped3A_151 = tpu.sem_alloc : memref<!tpu.dma_semaphore, #tpu.memory_space<semaphore_mem>>
          %dma_start3A_152 = arith.constant 0 : i32
          %dma_start3A_153 = tpu.memref_slice %arg11[%add3A_150, %dma_start3A_152] : memref<89x112xi32, #tpu.memory_space<vmem>> -> memref<1x112xi32, #tpu.memory_space<vmem>>
          %dma_start3A_154 = tpu.memref_squeeze %dma_start3A_153 : memref<1x112xi32, #tpu.memory_space<vmem>> -> memref<112xi32, #tpu.memory_space<vmem>>
          %dma_start3A_155 = arith.constant 0 : i32
          %dma_start3A_156 = arith.constant 0 : i32
          %dma_start3A_157 = tpu.memref_slice %arg16[%dma_start3A_155, %dma_start3A_156] : memref<10000x128xf32, #tpu.memory_space<vmem_shared>> -> memref<10000x128xf32, #tpu.memory_space<vmem_shared>>
          tpu.enqueue_indirect_dma source(%arg15 : memref<112x128xf32, #tpu.memory_space<vmem>>) target(%dma_start3A_157 : memref<10000x128xf32, #tpu.memory_space<vmem_shared>>) offsets(%dma_start3A_154 : memref<112xi32, #tpu.memory_space<vmem>>) semaphore(%run_scoped3A_151 : memref<!tpu.dma_semaphore, #tpu.memory_space<semaphore_mem>>) {add = true}
          %dma_wait3A_158 = arith.constant 0 : i32
          %dma_wait3A_159 = tpu.memref_slice %arg11[%add3A_150, %dma_wait3A_158] : memref<89x112xi32, #tpu.memory_space<vmem>> -> memref<1x112xi32, #tpu.memory_space<vmem>>
          %dma_wait3A_160 = tpu.memref_squeeze %dma_wait3A_159 : memref<1x112xi32, #tpu.memory_space<vmem>> -> memref<112xi32, #tpu.memory_space<vmem>>
          %dma_wait3A_161 = arith.constant 0 : i32
          %dma_wait3A_162 = arith.constant 0 : i32
          %dma_wait3A_163 = tpu.memref_slice %arg16[%dma_wait3A_161, %dma_wait3A_162] : memref<10000x128xf32, #tpu.memory_space<vmem_shared>> -> memref<10000x128xf32, #tpu.memory_space<vmem_shared>>
          tpu.wait_indirect_dma semaphore(%run_scoped3A_151 : memref<!tpu.dma_semaphore, #tpu.memory_space<semaphore_mem>>) src(%arg15 : memref<112x128xf32, #tpu.memory_space<vmem>>) dst(%dma_wait3A_163 : memref<10000x128xf32, #tpu.memory_space<vmem_shared>>)
          tpu.yield
        }) : () -> ()
      }
      %scan3A_78 = arith.constant 44 : i32
      %dma_start3A_79 = arith.constant 0 : i32
      %dma_start3A_80 = arith.constant 0 : i32
      %dma_start3A_81 = arith.constant 0 : i32
      %dma_start3A_82 = tpu.memref_slice %arg15[%dma_start3A_80, %dma_start3A_81] : memref<112x128xf32, #tpu.memory_space<vmem>> -> memref<32x128xf32, #tpu.memory_space<vmem>>
      %dma_start3A_83 = arith.constant 0 : i32
      %dma_start3A_84 = tpu.memref_slice %arg12[%dma_start3A_79, %dma_start3A_83] : memref<1x32xi32, #tpu.memory_space<vmem>> -> memref<1x32xi32, #tpu.memory_space<vmem>>
      %dma_start3A_85 = tpu.memref_squeeze %dma_start3A_84 : memref<1x32xi32, #tpu.memory_space<vmem>> -> memref<32xi32, #tpu.memory_space<vmem>>
      %dma_start3A_86 = arith.constant 0 : i32
      %dma_start3A_87 = arith.constant 0 : i32
      %dma_start3A_88 = tpu.memref_slice %arg2[%dma_start3A_86, %dma_start3A_87] : memref<10000x128xf32, #tpu.memory_space<hbm>> -> memref<10000x128xf32, #tpu.memory_space<hbm>>
      tpu.enqueue_indirect_dma source(%dma_start3A_88 : memref<10000x128xf32, #tpu.memory_space<hbm>>) target(%dma_start3A_82 : memref<32x128xf32, #tpu.memory_space<vmem>>) offsets(%dma_start3A_85 : memref<32xi32, #tpu.memory_space<vmem>>) semaphore(%arg18 : memref<!tpu.dma_semaphore, #tpu.memory_space<semaphore_mem>>)
      %dma_wait3A_89 = arith.constant 88 : i32
      %dma_wait3A_90 = arith.constant 0 : i32
      %dma_wait3A_91 = tpu.memref_slice %arg10[%dma_wait3A_89, %dma_wait3A_90] : memref<89x112xi32, #tpu.memory_space<vmem>> -> memref<1x112xi32, #tpu.memory_space<vmem>>
      %dma_wait3A_92 = tpu.memref_squeeze %dma_wait3A_91 : memref<1x112xi32, #tpu.memory_space<vmem>> -> memref<112xi32, #tpu.memory_space<vmem>>
      %dma_wait3A_93 = arith.constant 0 : i32
      %dma_wait3A_94 = arith.constant 0 : i32
      %dma_wait3A_95 = tpu.memref_slice %arg2[%dma_wait3A_93, %dma_wait3A_94] : memref<10000x128xf32, #tpu.memory_space<hbm>> -> memref<10000x128xf32, #tpu.memory_space<hbm>>
      tpu.wait_indirect_dma semaphore(%arg17 : memref<!tpu.dma_semaphore, #tpu.memory_space<semaphore_mem>>) src(%dma_wait3A_95 : memref<10000x128xf32, #tpu.memory_space<hbm>>) dst(%arg14 : memref<112x128xf32, #tpu.memory_space<vmem>>)
      %run_scoped3A_96 = arith.constant 88 : i32
      "tpu.region"() ({
        %run_scoped3A_118 = tpu.sem_alloc : memref<!tpu.dma_semaphore, #tpu.memory_space<semaphore_mem>>
        %dma_start3A_119 = arith.constant 0 : i32
        %dma_start3A_120 = tpu.memref_slice %arg11[%run_scoped3A_96, %dma_start3A_119] : memref<89x112xi32, #tpu.memory_space<vmem>> -> memref<1x112xi32, #tpu.memory_space<vmem>>
        %dma_start3A_121 = tpu.memref_squeeze %dma_start3A_120 : memref<1x112xi32, #tpu.memory_space<vmem>> -> memref<112xi32, #tpu.memory_space<vmem>>
        %dma_start3A_122 = arith.constant 0 : i32
        %dma_start3A_123 = arith.constant 0 : i32
        %dma_start3A_124 = tpu.memref_slice %arg16[%dma_start3A_122, %dma_start3A_123] : memref<10000x128xf32, #tpu.memory_space<vmem_shared>> -> memref<10000x128xf32, #tpu.memory_space<vmem_shared>>
        tpu.enqueue_indirect_dma source(%arg14 : memref<112x128xf32, #tpu.memory_space<vmem>>) target(%dma_start3A_124 : memref<10000x128xf32, #tpu.memory_space<vmem_shared>>) offsets(%dma_start3A_121 : memref<112xi32, #tpu.memory_space<vmem>>) semaphore(%run_scoped3A_118 : memref<!tpu.dma_semaphore, #tpu.memory_space<semaphore_mem>>) {add = true}
        %dma_wait3A_125 = arith.constant 0 : i32
        %dma_wait3A_126 = tpu.memref_slice %arg11[%run_scoped3A_96, %dma_wait3A_125] : memref<89x112xi32, #tpu.memory_space<vmem>> -> memref<1x112xi32, #tpu.memory_space<vmem>>
        %dma_wait3A_127 = tpu.memref_squeeze %dma_wait3A_126 : memref<1x112xi32, #tpu.memory_space<vmem>> -> memref<112xi32, #tpu.memory_space<vmem>>
        %dma_wait3A_128 = arith.constant 0 : i32
        %dma_wait3A_129 = arith.constant 0 : i32
        %dma_wait3A_130 = tpu.memref_slice %arg16[%dma_wait3A_128, %dma_wait3A_129] : memref<10000x128xf32, #tpu.memory_space<vmem_shared>> -> memref<10000x128xf32, #tpu.memory_space<vmem_shared>>
        tpu.wait_indirect_dma semaphore(%run_scoped3A_118 : memref<!tpu.dma_semaphore, #tpu.memory_space<semaphore_mem>>) src(%arg14 : memref<112x128xf32, #tpu.memory_space<vmem>>) dst(%dma_wait3A_130 : memref<10000x128xf32, #tpu.memory_space<vmem_shared>>)
        tpu.yield
      }) : () -> ()
      %dma_wait3A_97 = arith.constant 0 : i32
      %dma_wait3A_98 = arith.constant 0 : i32
      %dma_wait3A_99 = arith.constant 0 : i32
      %dma_wait3A_100 = tpu.memref_slice %arg15[%dma_wait3A_98, %dma_wait3A_99] : memref<112x128xf32, #tpu.memory_space<vmem>> -> memref<32x128xf32, #tpu.memory_space<vmem>>
      %dma_wait3A_101 = arith.constant 0 : i32
      %dma_wait3A_102 = tpu.memref_slice %arg12[%dma_wait3A_97, %dma_wait3A_101] : memref<1x32xi32, #tpu.memory_space<vmem>> -> memref<1x32xi32, #tpu.memory_space<vmem>>
      %dma_wait3A_103 = tpu.memref_squeeze %dma_wait3A_102 : memref<1x32xi32, #tpu.memory_space<vmem>> -> memref<32xi32, #tpu.memory_space<vmem>>
      %dma_wait3A_104 = arith.constant 0 : i32
      %dma_wait3A_105 = arith.constant 0 : i32
      %dma_wait3A_106 = tpu.memref_slice %arg2[%dma_wait3A_104, %dma_wait3A_105] : memref<10000x128xf32, #tpu.memory_space<hbm>> -> memref<10000x128xf32, #tpu.memory_space<hbm>>
      tpu.wait_indirect_dma semaphore(%arg18 : memref<!tpu.dma_semaphore, #tpu.memory_space<semaphore_mem>>) src(%dma_wait3A_106 : memref<10000x128xf32, #tpu.memory_space<hbm>>) dst(%dma_wait3A_100 : memref<32x128xf32, #tpu.memory_space<vmem>>)
      %run_scoped3A_107 = arith.constant 0 : i32
      "tpu.region"() ({
        %run_scoped3A_118 = tpu.sem_alloc : memref<!tpu.dma_semaphore, #tpu.memory_space<semaphore_mem>>
        %dma_start3A_119 = arith.constant 0 : i32
        %dma_start3A_120 = arith.constant 0 : i32
        %dma_start3A_121 = tpu.memref_slice %arg15[%dma_start3A_119, %dma_start3A_120] : memref<112x128xf32, #tpu.memory_space<vmem>> -> memref<32x128xf32, #tpu.memory_space<vmem>>
        %dma_start3A_122 = arith.constant 0 : i32
        %dma_start3A_123 = tpu.memref_slice %arg13[%run_scoped3A_107, %dma_start3A_122] : memref<1x32xi32, #tpu.memory_space<vmem>> -> memref<1x32xi32, #tpu.memory_space<vmem>>
        %dma_start3A_124 = tpu.memref_squeeze %dma_start3A_123 : memref<1x32xi32, #tpu.memory_space<vmem>> -> memref<32xi32, #tpu.memory_space<vmem>>
        %dma_start3A_125 = arith.constant 0 : i32
        %dma_start3A_126 = arith.constant 0 : i32
        %dma_start3A_127 = tpu.memref_slice %arg16[%dma_start3A_125, %dma_start3A_126] : memref<10000x128xf32, #tpu.memory_space<vmem_shared>> -> memref<10000x128xf32, #tpu.memory_space<vmem_shared>>
        tpu.enqueue_indirect_dma source(%dma_start3A_121 : memref<32x128xf32, #tpu.memory_space<vmem>>) target(%dma_start3A_127 : memref<10000x128xf32, #tpu.memory_space<vmem_shared>>) offsets(%dma_start3A_124 : memref<32xi32, #tpu.memory_space<vmem>>) semaphore(%run_scoped3A_118 : memref<!tpu.dma_semaphore, #tpu.memory_space<semaphore_mem>>) {add = true}
        %dma_wait3A_128 = arith.constant 0 : i32
        %dma_wait3A_129 = arith.constant 0 : i32
        %dma_wait3A_130 = tpu.memref_slice %arg15[%dma_wait3A_128, %dma_wait3A_129] : memref<112x128xf32, #tpu.memory_space<vmem>> -> memref<32x128xf32, #tpu.memory_space<vmem>>
        %dma_wait3A_131 = arith.constant 0 : i32
        %dma_wait3A_132 = tpu.memref_slice %arg13[%run_scoped3A_107, %dma_wait3A_131] : memref<1x32xi32, #tpu.memory_space<vmem>> -> memref<1x32xi32, #tpu.memory_space<vmem>>
        %dma_wait3A_133 = tpu.memref_squeeze %dma_wait3A_132 : memref<1x32xi32, #tpu.memory_space<vmem>> -> memref<32xi32, #tpu.memory_space<vmem>>
        %dma_wait3A_134 = arith.constant 0 : i32
        %dma_wait3A_135 = arith.constant 0 : i32
        %dma_wait3A_136 = tpu.memref_slice %arg16[%dma_wait3A_134, %dma_wait3A_135] : memref<10000x128xf32, #tpu.memory_space<vmem_shared>> -> memref<10000x128xf32, #tpu.memory_space<vmem_shared>>
        tpu.wait_indirect_dma semaphore(%run_scoped3A_118 : memref<!tpu.dma_semaphore, #tpu.memory_space<semaphore_mem>>) src(%dma_wait3A_130 : memref<32x128xf32, #tpu.memory_space<vmem>>) dst(%dma_wait3A_136 : memref<10000x128xf32, #tpu.memory_space<vmem_shared>>)
        tpu.yield
      }) : () -> ()
      %barrier3A_108 = arith.constant 0 : index
      tpu.barrier barrier_id(%barrier3A_108)
      %lt3A = arith.constant 15 : i32
      %lt3A_109 = arith.cmpi slt, %arg1, %lt3A : i32
      %convert_element_type3A_110 = arith.extui %lt3A_109 : i1 to i32
      %cond3A_111 = arith.constant 0 : i32
      %cond3A_112 = arith.cmpi ne, %convert_element_type3A_110, %cond3A_111 : i32
      scf.if %cond3A_112 {
        %mul3A = arith.constant 640 : i32
        %mul3A_118 = arith.muli %arg1, %mul3A : i32
        %mul3A_119 = arith.constant 640 : i32
        %mul3A_120 = arith.muli %arg1, %mul3A_119 : i32
        "tpu.region"() ({
          %run_scoped3A_121 = tpu.sem_alloc : memref<!tpu.dma_semaphore, #tpu.memory_space<semaphore_mem>>
          %dma_start3A_122 = arith.constant 0 : i32
          %dma_start3A_123 = tpu.memref_slice %arg8[%mul3A_120, %dma_start3A_122] : memref<10000x128xf32, #tpu.memory_space<hbm>> -> memref<640x128xf32, #tpu.memory_space<hbm>>
          %dma_start3A_124 = arith.constant 0 : i32
          %dma_start3A_125 = tpu.memref_slice %arg16[%mul3A_118, %dma_start3A_124] : memref<10000x128xf32, #tpu.memory_space<vmem_shared>> -> memref<640x128xf32, #tpu.memory_space<vmem_shared>>
          tpu.enqueue_dma source(%dma_start3A_125 : memref<640x128xf32, #tpu.memory_space<vmem_shared>>) target(%dma_start3A_123 : memref<640x128xf32, #tpu.memory_space<hbm>>) target_semaphore(%run_scoped3A_121 : memref<!tpu.dma_semaphore, #tpu.memory_space<semaphore_mem>>)
          %dma_wait3A_126 = arith.constant 0 : i32
          %dma_wait3A_127 = tpu.memref_slice %arg8[%mul3A_120, %dma_wait3A_126] : memref<10000x128xf32, #tpu.memory_space<hbm>> -> memref<640x128xf32, #tpu.memory_space<hbm>>
          %dma_wait3A_128 = arith.constant 0 : i32
          %dma_wait3A_129 = tpu.memref_slice %arg16[%mul3A_118, %dma_wait3A_128] : memref<10000x128xf32, #tpu.memory_space<vmem_shared>> -> memref<640x128xf32, #tpu.memory_space<vmem_shared>>
          tpu.wait_dma2 semaphore(%run_scoped3A_121 : memref<!tpu.dma_semaphore, #tpu.memory_space<semaphore_mem>>) src(%dma_wait3A_129 : memref<640x128xf32, #tpu.memory_space<vmem_shared>>) dst(%dma_wait3A_127 : memref<640x128xf32, #tpu.memory_space<hbm>>)
          tpu.yield
        }) : () -> ()
      } else {
      }
      %eq3A_113 = arith.constant 15 : i32
      %eq3A_114 = arith.cmpi eq, %arg1, %eq3A_113 : i32
      %convert_element_type3A_115 = arith.extui %eq3A_114 : i1 to i32
      %cond3A_116 = arith.constant 0 : i32
      %cond3A_117 = arith.cmpi ne, %convert_element_type3A_115, %cond3A_116 : i32
      scf.if %cond3A_117 {
        "tpu.region"() ({
          %run_scoped3A_118 = tpu.sem_alloc : memref<!tpu.dma_semaphore, #tpu.memory_space<semaphore_mem>>
          %dma_start3A_119 = arith.constant 9600 : i32
          %dma_start3A_120 = arith.constant 0 : i32
          %dma_start3A_121 = tpu.memref_slice %arg8[%dma_start3A_119, %dma_start3A_120] : memref<10000x128xf32, #tpu.memory_space<hbm>> -> memref<400x128xf32, #tpu.memory_space<hbm>>
          %dma_start3A_122 = arith.constant 9600 : i32
          %dma_start3A_123 = arith.constant 0 : i32
          %dma_start3A_124 = tpu.memref_slice %arg16[%dma_start3A_122, %dma_start3A_123] : memref<10000x128xf32, #tpu.memory_space<vmem_shared>> -> memref<400x128xf32, #tpu.memory_space<vmem_shared>>
          tpu.enqueue_dma source(%dma_start3A_124 : memref<400x128xf32, #tpu.memory_space<vmem_shared>>) target(%dma_start3A_121 : memref<400x128xf32, #tpu.memory_space<hbm>>) target_semaphore(%run_scoped3A_118 : memref<!tpu.dma_semaphore, #tpu.memory_space<semaphore_mem>>)
          %dma_wait3A_125 = arith.constant 9600 : i32
          %dma_wait3A_126 = arith.constant 0 : i32
          %dma_wait3A_127 = tpu.memref_slice %arg8[%dma_wait3A_125, %dma_wait3A_126] : memref<10000x128xf32, #tpu.memory_space<hbm>> -> memref<400x128xf32, #tpu.memory_space<hbm>>
          %dma_wait3A_128 = arith.constant 9600 : i32
          %dma_wait3A_129 = arith.constant 0 : i32
          %dma_wait3A_130 = tpu.memref_slice %arg16[%dma_wait3A_128, %dma_wait3A_129] : memref<10000x128xf32, #tpu.memory_space<vmem_shared>> -> memref<400x128xf32, #tpu.memory_space<vmem_shared>>
          tpu.wait_dma2 semaphore(%run_scoped3A_118 : memref<!tpu.dma_semaphore, #tpu.memory_space<semaphore_mem>>) src(%dma_wait3A_130 : memref<400x128xf32, #tpu.memory_space<vmem_shared>>) dst(%dma_wait3A_127 : memref<400x128xf32, #tpu.memory_space<hbm>>)
          tpu.yield
        }) : () -> ()
      } else {
      }
    } else {
    }
    %eq3A_61 = arith.constant 1 : i32
    %eq3A_62 = arith.cmpi eq, %arg0, %eq3A_61 : i32
    %convert_element_type3A_63 = arith.extui %eq3A_62 : i1 to i32
    %cond3A_64 = arith.constant 0 : i32
    %cond3A_65 = arith.cmpi ne, %convert_element_type3A_63, %cond3A_64 : i32
    scf.if %cond3A_65 {
      %dma_start3A_66 = arith.constant 0 : i32
      %dma_start3A_67 = arith.constant 0 : i32
      %dma_start3A_68 = tpu.memref_slice %arg10[%dma_start3A_66, %dma_start3A_67] : memref<89x112xi32, #tpu.memory_space<vmem>> -> memref<1x112xi32, #tpu.memory_space<vmem>>
      %dma_start3A_69 = tpu.memref_squeeze %dma_start3A_68 : memref<1x112xi32, #tpu.memory_space<vmem>> -> memref<112xi32, #tpu.memory_space<vmem>>
      %dma_start3A_70 = arith.constant 0 : i32
      %dma_start3A_71 = arith.constant 0 : i32
      %dma_start3A_72 = tpu.memref_slice %arg3[%dma_start3A_70, %dma_start3A_71] : memref<10000x128xf32, #tpu.memory_space<hbm>> -> memref<10000x128xf32, #tpu.memory_space<hbm>>
      tpu.enqueue_indirect_dma source(%dma_start3A_72 : memref<10000x128xf32, #tpu.memory_space<hbm>>) target(%arg14 : memref<112x128xf32, #tpu.memory_space<vmem>>) offsets(%dma_start3A_69 : memref<112xi32, #tpu.memory_space<vmem>>) semaphore(%arg17 : memref<!tpu.dma_semaphore, #tpu.memory_space<semaphore_mem>>)
      %scan3A_73 = arith.constant 0 : i32
      %scan3A_74 = arith.constant 0 : i32
      %scan3A_75 = arith.constant 44 : i32
      %scan3A_76 = arith.addi %scan3A_74, %scan3A_75 : i32
      %scan3A_77 = arith.constant 1 : i32
      scf.for %scan3A_118 = %scan3A_74 to %scan3A_76 step %scan3A_77  : i32 {
        %mul3A = arith.constant 2 : i32
        %mul3A_119 = arith.muli %mul3A, %scan3A_118 : i32
        %add3A = arith.constant 1 : i32
        %add3A_120 = arith.addi %mul3A_119, %add3A : i32
        %dma_start3A_121 = arith.constant 0 : i32
        %dma_start3A_122 = tpu.memref_slice %arg10[%add3A_120, %dma_start3A_121] : memref<89x112xi32, #tpu.memory_space<vmem>> -> memref<1x112xi32, #tpu.memory_space<vmem>>
        %dma_start3A_123 = tpu.memref_squeeze %dma_start3A_122 : memref<1x112xi32, #tpu.memory_space<vmem>> -> memref<112xi32, #tpu.memory_space<vmem>>
        %dma_start3A_124 = arith.constant 0 : i32
        %dma_start3A_125 = arith.constant 0 : i32
        %dma_start3A_126 = tpu.memref_slice %arg3[%dma_start3A_124, %dma_start3A_125] : memref<10000x128xf32, #tpu.memory_space<hbm>> -> memref<10000x128xf32, #tpu.memory_space<hbm>>
        tpu.enqueue_indirect_dma source(%dma_start3A_126 : memref<10000x128xf32, #tpu.memory_space<hbm>>) target(%arg15 : memref<112x128xf32, #tpu.memory_space<vmem>>) offsets(%dma_start3A_123 : memref<112xi32, #tpu.memory_space<vmem>>) semaphore(%arg18 : memref<!tpu.dma_semaphore, #tpu.memory_space<semaphore_mem>>)
        %dma_wait3A_127 = arith.constant 0 : i32
        %dma_wait3A_128 = tpu.memref_slice %arg10[%mul3A_119, %dma_wait3A_127] : memref<89x112xi32, #tpu.memory_space<vmem>> -> memref<1x112xi32, #tpu.memory_space<vmem>>
        %dma_wait3A_129 = tpu.memref_squeeze %dma_wait3A_128 : memref<1x112xi32, #tpu.memory_space<vmem>> -> memref<112xi32, #tpu.memory_space<vmem>>
        %dma_wait3A_130 = arith.constant 0 : i32
        %dma_wait3A_131 = arith.constant 0 : i32
        %dma_wait3A_132 = tpu.memref_slice %arg3[%dma_wait3A_130, %dma_wait3A_131] : memref<10000x128xf32, #tpu.memory_space<hbm>> -> memref<10000x128xf32, #tpu.memory_space<hbm>>
        tpu.wait_indirect_dma semaphore(%arg17 : memref<!tpu.dma_semaphore, #tpu.memory_space<semaphore_mem>>) src(%dma_wait3A_132 : memref<10000x128xf32, #tpu.memory_space<hbm>>) dst(%arg14 : memref<112x128xf32, #tpu.memory_space<vmem>>)
        "tpu.region"() ({
          %run_scoped3A_151 = tpu.sem_alloc : memref<!tpu.dma_semaphore, #tpu.memory_space<semaphore_mem>>
          %dma_start3A_152 = arith.constant 0 : i32
          %dma_start3A_153 = tpu.memref_slice %arg11[%mul3A_119, %dma_start3A_152] : memref<89x112xi32, #tpu.memory_space<vmem>> -> memref<1x112xi32, #tpu.memory_space<vmem>>
          %dma_start3A_154 = tpu.memref_squeeze %dma_start3A_153 : memref<1x112xi32, #tpu.memory_space<vmem>> -> memref<112xi32, #tpu.memory_space<vmem>>
          %dma_start3A_155 = arith.constant 0 : i32
          %dma_start3A_156 = arith.constant 0 : i32
          %dma_start3A_157 = tpu.memref_slice %arg16[%dma_start3A_155, %dma_start3A_156] : memref<10000x128xf32, #tpu.memory_space<vmem_shared>> -> memref<10000x128xf32, #tpu.memory_space<vmem_shared>>
          tpu.enqueue_indirect_dma source(%arg14 : memref<112x128xf32, #tpu.memory_space<vmem>>) target(%dma_start3A_157 : memref<10000x128xf32, #tpu.memory_space<vmem_shared>>) offsets(%dma_start3A_154 : memref<112xi32, #tpu.memory_space<vmem>>) semaphore(%run_scoped3A_151 : memref<!tpu.dma_semaphore, #tpu.memory_space<semaphore_mem>>) {add = true}
          %dma_wait3A_158 = arith.constant 0 : i32
          %dma_wait3A_159 = tpu.memref_slice %arg11[%mul3A_119, %dma_wait3A_158] : memref<89x112xi32, #tpu.memory_space<vmem>> -> memref<1x112xi32, #tpu.memory_space<vmem>>
          %dma_wait3A_160 = tpu.memref_squeeze %dma_wait3A_159 : memref<1x112xi32, #tpu.memory_space<vmem>> -> memref<112xi32, #tpu.memory_space<vmem>>
          %dma_wait3A_161 = arith.constant 0 : i32
          %dma_wait3A_162 = arith.constant 0 : i32
          %dma_wait3A_163 = tpu.memref_slice %arg16[%dma_wait3A_161, %dma_wait3A_162] : memref<10000x128xf32, #tpu.memory_space<vmem_shared>> -> memref<10000x128xf32, #tpu.memory_space<vmem_shared>>
          tpu.wait_indirect_dma semaphore(%run_scoped3A_151 : memref<!tpu.dma_semaphore, #tpu.memory_space<semaphore_mem>>) src(%arg14 : memref<112x128xf32, #tpu.memory_space<vmem>>) dst(%dma_wait3A_163 : memref<10000x128xf32, #tpu.memory_space<vmem_shared>>)
          tpu.yield
        }) : () -> ()
        %add3A_133 = arith.constant 2 : i32
        %add3A_134 = arith.addi %mul3A_119, %add3A_133 : i32
        %dma_start3A_135 = arith.constant 0 : i32
        %dma_start3A_136 = tpu.memref_slice %arg10[%add3A_134, %dma_start3A_135] : memref<89x112xi32, #tpu.memory_space<vmem>> -> memref<1x112xi32, #tpu.memory_space<vmem>>
        %dma_start3A_137 = tpu.memref_squeeze %dma_start3A_136 : memref<1x112xi32, #tpu.memory_space<vmem>> -> memref<112xi32, #tpu.memory_space<vmem>>
        %dma_start3A_138 = arith.constant 0 : i32
        %dma_start3A_139 = arith.constant 0 : i32
        %dma_start3A_140 = tpu.memref_slice %arg3[%dma_start3A_138, %dma_start3A_139] : memref<10000x128xf32, #tpu.memory_space<hbm>> -> memref<10000x128xf32, #tpu.memory_space<hbm>>
        tpu.enqueue_indirect_dma source(%dma_start3A_140 : memref<10000x128xf32, #tpu.memory_space<hbm>>) target(%arg14 : memref<112x128xf32, #tpu.memory_space<vmem>>) offsets(%dma_start3A_137 : memref<112xi32, #tpu.memory_space<vmem>>) semaphore(%arg17 : memref<!tpu.dma_semaphore, #tpu.memory_space<semaphore_mem>>)
        %add3A_141 = arith.constant 1 : i32
        %add3A_142 = arith.addi %mul3A_119, %add3A_141 : i32
        %dma_wait3A_143 = arith.constant 0 : i32
        %dma_wait3A_144 = tpu.memref_slice %arg10[%add3A_142, %dma_wait3A_143] : memref<89x112xi32, #tpu.memory_space<vmem>> -> memref<1x112xi32, #tpu.memory_space<vmem>>
        %dma_wait3A_145 = tpu.memref_squeeze %dma_wait3A_144 : memref<1x112xi32, #tpu.memory_space<vmem>> -> memref<112xi32, #tpu.memory_space<vmem>>
        %dma_wait3A_146 = arith.constant 0 : i32
        %dma_wait3A_147 = arith.constant 0 : i32
        %dma_wait3A_148 = tpu.memref_slice %arg3[%dma_wait3A_146, %dma_wait3A_147] : memref<10000x128xf32, #tpu.memory_space<hbm>> -> memref<10000x128xf32, #tpu.memory_space<hbm>>
        tpu.wait_indirect_dma semaphore(%arg18 : memref<!tpu.dma_semaphore, #tpu.memory_space<semaphore_mem>>) src(%dma_wait3A_148 : memref<10000x128xf32, #tpu.memory_space<hbm>>) dst(%arg15 : memref<112x128xf32, #tpu.memory_space<vmem>>)
        %add3A_149 = arith.constant 1 : i32
        %add3A_150 = arith.addi %mul3A_119, %add3A_149 : i32
        "tpu.region"() ({
          %run_scoped3A_151 = tpu.sem_alloc : memref<!tpu.dma_semaphore, #tpu.memory_space<semaphore_mem>>
          %dma_start3A_152 = arith.constant 0 : i32
          %dma_start3A_153 = tpu.memref_slice %arg11[%add3A_150, %dma_start3A_152] : memref<89x112xi32, #tpu.memory_space<vmem>> -> memref<1x112xi32, #tpu.memory_space<vmem>>
          %dma_start3A_154 = tpu.memref_squeeze %dma_start3A_153 : memref<1x112xi32, #tpu.memory_space<vmem>> -> memref<112xi32, #tpu.memory_space<vmem>>
          %dma_start3A_155 = arith.constant 0 : i32
          %dma_start3A_156 = arith.constant 0 : i32
          %dma_start3A_157 = tpu.memref_slice %arg16[%dma_start3A_155, %dma_start3A_156] : memref<10000x128xf32, #tpu.memory_space<vmem_shared>> -> memref<10000x128xf32, #tpu.memory_space<vmem_shared>>
          tpu.enqueue_indirect_dma source(%arg15 : memref<112x128xf32, #tpu.memory_space<vmem>>) target(%dma_start3A_157 : memref<10000x128xf32, #tpu.memory_space<vmem_shared>>) offsets(%dma_start3A_154 : memref<112xi32, #tpu.memory_space<vmem>>) semaphore(%run_scoped3A_151 : memref<!tpu.dma_semaphore, #tpu.memory_space<semaphore_mem>>) {add = true}
          %dma_wait3A_158 = arith.constant 0 : i32
          %dma_wait3A_159 = tpu.memref_slice %arg11[%add3A_150, %dma_wait3A_158] : memref<89x112xi32, #tpu.memory_space<vmem>> -> memref<1x112xi32, #tpu.memory_space<vmem>>
          %dma_wait3A_160 = tpu.memref_squeeze %dma_wait3A_159 : memref<1x112xi32, #tpu.memory_space<vmem>> -> memref<112xi32, #tpu.memory_space<vmem>>
          %dma_wait3A_161 = arith.constant 0 : i32
          %dma_wait3A_162 = arith.constant 0 : i32
          %dma_wait3A_163 = tpu.memref_slice %arg16[%dma_wait3A_161, %dma_wait3A_162] : memref<10000x128xf32, #tpu.memory_space<vmem_shared>> -> memref<10000x128xf32, #tpu.memory_space<vmem_shared>>
          tpu.wait_indirect_dma semaphore(%run_scoped3A_151 : memref<!tpu.dma_semaphore, #tpu.memory_space<semaphore_mem>>) src(%arg15 : memref<112x128xf32, #tpu.memory_space<vmem>>) dst(%dma_wait3A_163 : memref<10000x128xf32, #tpu.memory_space<vmem_shared>>)
          tpu.yield
        }) : () -> ()
      }
      %scan3A_78 = arith.constant 44 : i32
      %dma_start3A_79 = arith.constant 0 : i32
      %dma_start3A_80 = arith.constant 0 : i32
      %dma_start3A_81 = arith.constant 0 : i32
      %dma_start3A_82 = tpu.memref_slice %arg15[%dma_start3A_80, %dma_start3A_81] : memref<112x128xf32, #tpu.memory_space<vmem>> -> memref<32x128xf32, #tpu.memory_space<vmem>>
      %dma_start3A_83 = arith.constant 0 : i32
      %dma_start3A_84 = tpu.memref_slice %arg12[%dma_start3A_79, %dma_start3A_83] : memref<1x32xi32, #tpu.memory_space<vmem>> -> memref<1x32xi32, #tpu.memory_space<vmem>>
      %dma_start3A_85 = tpu.memref_squeeze %dma_start3A_84 : memref<1x32xi32, #tpu.memory_space<vmem>> -> memref<32xi32, #tpu.memory_space<vmem>>
      %dma_start3A_86 = arith.constant 0 : i32
      %dma_start3A_87 = arith.constant 0 : i32
      %dma_start3A_88 = tpu.memref_slice %arg3[%dma_start3A_86, %dma_start3A_87] : memref<10000x128xf32, #tpu.memory_space<hbm>> -> memref<10000x128xf32, #tpu.memory_space<hbm>>
      tpu.enqueue_indirect_dma source(%dma_start3A_88 : memref<10000x128xf32, #tpu.memory_space<hbm>>) target(%dma_start3A_82 : memref<32x128xf32, #tpu.memory_space<vmem>>) offsets(%dma_start3A_85 : memref<32xi32, #tpu.memory_space<vmem>>) semaphore(%arg18 : memref<!tpu.dma_semaphore, #tpu.memory_space<semaphore_mem>>)
      %dma_wait3A_89 = arith.constant 88 : i32
      %dma_wait3A_90 = arith.constant 0 : i32
      %dma_wait3A_91 = tpu.memref_slice %arg10[%dma_wait3A_89, %dma_wait3A_90] : memref<89x112xi32, #tpu.memory_space<vmem>> -> memref<1x112xi32, #tpu.memory_space<vmem>>
      %dma_wait3A_92 = tpu.memref_squeeze %dma_wait3A_91 : memref<1x112xi32, #tpu.memory_space<vmem>> -> memref<112xi32, #tpu.memory_space<vmem>>
      %dma_wait3A_93 = arith.constant 0 : i32
      %dma_wait3A_94 = arith.constant 0 : i32
      %dma_wait3A_95 = tpu.memref_slice %arg3[%dma_wait3A_93, %dma_wait3A_94] : memref<10000x128xf32, #tpu.memory_space<hbm>> -> memref<10000x128xf32, #tpu.memory_space<hbm>>
      tpu.wait_indirect_dma semaphore(%arg17 : memref<!tpu.dma_semaphore, #tpu.memory_space<semaphore_mem>>) src(%dma_wait3A_95 : memref<10000x128xf32, #tpu.memory_space<hbm>>) dst(%arg14 : memref<112x128xf32, #tpu.memory_space<vmem>>)
      %run_scoped3A_96 = arith.constant 88 : i32
      "tpu.region"() ({
        %run_scoped3A_118 = tpu.sem_alloc : memref<!tpu.dma_semaphore, #tpu.memory_space<semaphore_mem>>
        %dma_start3A_119 = arith.constant 0 : i32
        %dma_start3A_120 = tpu.memref_slice %arg11[%run_scoped3A_96, %dma_start3A_119] : memref<89x112xi32, #tpu.memory_space<vmem>> -> memref<1x112xi32, #tpu.memory_space<vmem>>
        %dma_start3A_121 = tpu.memref_squeeze %dma_start3A_120 : memref<1x112xi32, #tpu.memory_space<vmem>> -> memref<112xi32, #tpu.memory_space<vmem>>
        %dma_start3A_122 = arith.constant 0 : i32
        %dma_start3A_123 = arith.constant 0 : i32
        %dma_start3A_124 = tpu.memref_slice %arg16[%dma_start3A_122, %dma_start3A_123] : memref<10000x128xf32, #tpu.memory_space<vmem_shared>> -> memref<10000x128xf32, #tpu.memory_space<vmem_shared>>
        tpu.enqueue_indirect_dma source(%arg14 : memref<112x128xf32, #tpu.memory_space<vmem>>) target(%dma_start3A_124 : memref<10000x128xf32, #tpu.memory_space<vmem_shared>>) offsets(%dma_start3A_121 : memref<112xi32, #tpu.memory_space<vmem>>) semaphore(%run_scoped3A_118 : memref<!tpu.dma_semaphore, #tpu.memory_space<semaphore_mem>>) {add = true}
        %dma_wait3A_125 = arith.constant 0 : i32
        %dma_wait3A_126 = tpu.memref_slice %arg11[%run_scoped3A_96, %dma_wait3A_125] : memref<89x112xi32, #tpu.memory_space<vmem>> -> memref<1x112xi32, #tpu.memory_space<vmem>>
        %dma_wait3A_127 = tpu.memref_squeeze %dma_wait3A_126 : memref<1x112xi32, #tpu.memory_space<vmem>> -> memref<112xi32, #tpu.memory_space<vmem>>
        %dma_wait3A_128 = arith.constant 0 : i32
        %dma_wait3A_129 = arith.constant 0 : i32
        %dma_wait3A_130 = tpu.memref_slice %arg16[%dma_wait3A_128, %dma_wait3A_129] : memref<10000x128xf32, #tpu.memory_space<vmem_shared>> -> memref<10000x128xf32, #tpu.memory_space<vmem_shared>>
        tpu.wait_indirect_dma semaphore(%run_scoped3A_118 : memref<!tpu.dma_semaphore, #tpu.memory_space<semaphore_mem>>) src(%arg14 : memref<112x128xf32, #tpu.memory_space<vmem>>) dst(%dma_wait3A_130 : memref<10000x128xf32, #tpu.memory_space<vmem_shared>>)
        tpu.yield
      }) : () -> ()
      %dma_wait3A_97 = arith.constant 0 : i32
      %dma_wait3A_98 = arith.constant 0 : i32
      %dma_wait3A_99 = arith.constant 0 : i32
      %dma_wait3A_100 = tpu.memref_slice %arg15[%dma_wait3A_98, %dma_wait3A_99] : memref<112x128xf32, #tpu.memory_space<vmem>> -> memref<32x128xf32, #tpu.memory_space<vmem>>
      %dma_wait3A_101 = arith.constant 0 : i32
      %dma_wait3A_102 = tpu.memref_slice %arg12[%dma_wait3A_97, %dma_wait3A_101] : memref<1x32xi32, #tpu.memory_space<vmem>> -> memref<1x32xi32, #tpu.memory_space<vmem>>
      %dma_wait3A_103 = tpu.memref_squeeze %dma_wait3A_102 : memref<1x32xi32, #tpu.memory_space<vmem>> -> memref<32xi32, #tpu.memory_space<vmem>>
      %dma_wait3A_104 = arith.constant 0 : i32
      %dma_wait3A_105 = arith.constant 0 : i32
      %dma_wait3A_106 = tpu.memref_slice %arg3[%dma_wait3A_104, %dma_wait3A_105] : memref<10000x128xf32, #tpu.memory_space<hbm>> -> memref<10000x128xf32, #tpu.memory_space<hbm>>
      tpu.wait_indirect_dma semaphore(%arg18 : memref<!tpu.dma_semaphore, #tpu.memory_space<semaphore_mem>>) src(%dma_wait3A_106 : memref<10000x128xf32, #tpu.memory_space<hbm>>) dst(%dma_wait3A_100 : memref<32x128xf32, #tpu.memory_space<vmem>>)
      %run_scoped3A_107 = arith.constant 0 : i32
      "tpu.region"() ({
        %run_scoped3A_118 = tpu.sem_alloc : memref<!tpu.dma_semaphore, #tpu.memory_space<semaphore_mem>>
        %dma_start3A_119 = arith.constant 0 : i32
        %dma_start3A_120 = arith.constant 0 : i32
        %dma_start3A_121 = tpu.memref_slice %arg15[%dma_start3A_119, %dma_start3A_120] : memref<112x128xf32, #tpu.memory_space<vmem>> -> memref<32x128xf32, #tpu.memory_space<vmem>>
        %dma_start3A_122 = arith.constant 0 : i32
        %dma_start3A_123 = tpu.memref_slice %arg13[%run_scoped3A_107, %dma_start3A_122] : memref<1x32xi32, #tpu.memory_space<vmem>> -> memref<1x32xi32, #tpu.memory_space<vmem>>
        %dma_start3A_124 = tpu.memref_squeeze %dma_start3A_123 : memref<1x32xi32, #tpu.memory_space<vmem>> -> memref<32xi32, #tpu.memory_space<vmem>>
        %dma_start3A_125 = arith.constant 0 : i32
        %dma_start3A_126 = arith.constant 0 : i32
        %dma_start3A_127 = tpu.memref_slice %arg16[%dma_start3A_125, %dma_start3A_126] : memref<10000x128xf32, #tpu.memory_space<vmem_shared>> -> memref<10000x128xf32, #tpu.memory_space<vmem_shared>>
        tpu.enqueue_indirect_dma source(%dma_start3A_121 : memref<32x128xf32, #tpu.memory_space<vmem>>) target(%dma_start3A_127 : memref<10000x128xf32, #tpu.memory_space<vmem_shared>>) offsets(%dma_start3A_124 : memref<32xi32, #tpu.memory_space<vmem>>) semaphore(%run_scoped3A_118 : memref<!tpu.dma_semaphore, #tpu.memory_space<semaphore_mem>>) {add = true}
        %dma_wait3A_128 = arith.constant 0 : i32
        %dma_wait3A_129 = arith.constant 0 : i32
        %dma_wait3A_130 = tpu.memref_slice %arg15[%dma_wait3A_128, %dma_wait3A_129] : memref<112x128xf32, #tpu.memory_space<vmem>> -> memref<32x128xf32, #tpu.memory_space<vmem>>
        %dma_wait3A_131 = arith.constant 0 : i32
        %dma_wait3A_132 = tpu.memref_slice %arg13[%run_scoped3A_107, %dma_wait3A_131] : memref<1x32xi32, #tpu.memory_space<vmem>> -> memref<1x32xi32, #tpu.memory_space<vmem>>
        %dma_wait3A_133 = tpu.memref_squeeze %dma_wait3A_132 : memref<1x32xi32, #tpu.memory_space<vmem>> -> memref<32xi32, #tpu.memory_space<vmem>>
        %dma_wait3A_134 = arith.constant 0 : i32
        %dma_wait3A_135 = arith.constant 0 : i32
        %dma_wait3A_136 = tpu.memref_slice %arg16[%dma_wait3A_134, %dma_wait3A_135] : memref<10000x128xf32, #tpu.memory_space<vmem_shared>> -> memref<10000x128xf32, #tpu.memory_space<vmem_shared>>
        tpu.wait_indirect_dma semaphore(%run_scoped3A_118 : memref<!tpu.dma_semaphore, #tpu.memory_space<semaphore_mem>>) src(%dma_wait3A_130 : memref<32x128xf32, #tpu.memory_space<vmem>>) dst(%dma_wait3A_136 : memref<10000x128xf32, #tpu.memory_space<vmem_shared>>)
        tpu.yield
      }) : () -> ()
      %barrier3A_108 = arith.constant 0 : index
      tpu.barrier barrier_id(%barrier3A_108)
      %lt3A = arith.constant 15 : i32
      %lt3A_109 = arith.cmpi slt, %arg1, %lt3A : i32
      %convert_element_type3A_110 = arith.extui %lt3A_109 : i1 to i32
      %cond3A_111 = arith.constant 0 : i32
      %cond3A_112 = arith.cmpi ne, %convert_element_type3A_110, %cond3A_111 : i32
      scf.if %cond3A_112 {
        %mul3A = arith.constant 640 : i32
        %mul3A_118 = arith.muli %arg1, %mul3A : i32
        %mul3A_119 = arith.constant 640 : i32
        %mul3A_120 = arith.muli %arg1, %mul3A_119 : i32
        "tpu.region"() ({
          %run_scoped3A_121 = tpu.sem_alloc : memref<!tpu.dma_semaphore, #tpu.memory_space<semaphore_mem>>
          %dma_start3A_122 = arith.constant 0 : i32
          %dma_start3A_123 = tpu.memref_slice %arg9[%mul3A_120, %dma_start3A_122] : memref<10000x128xf32, #tpu.memory_space<hbm>> -> memref<640x128xf32, #tpu.memory_space<hbm>>
          %dma_start3A_124 = arith.constant 0 : i32
          %dma_start3A_125 = tpu.memref_slice %arg16[%mul3A_118, %dma_start3A_124] : memref<10000x128xf32, #tpu.memory_space<vmem_shared>> -> memref<640x128xf32, #tpu.memory_space<vmem_shared>>
          tpu.enqueue_dma source(%dma_start3A_125 : memref<640x128xf32, #tpu.memory_space<vmem_shared>>) target(%dma_start3A_123 : memref<640x128xf32, #tpu.memory_space<hbm>>) target_semaphore(%run_scoped3A_121 : memref<!tpu.dma_semaphore, #tpu.memory_space<semaphore_mem>>)
          %dma_wait3A_126 = arith.constant 0 : i32
          %dma_wait3A_127 = tpu.memref_slice %arg9[%mul3A_120, %dma_wait3A_126] : memref<10000x128xf32, #tpu.memory_space<hbm>> -> memref<640x128xf32, #tpu.memory_space<hbm>>
          %dma_wait3A_128 = arith.constant 0 : i32
          %dma_wait3A_129 = tpu.memref_slice %arg16[%mul3A_118, %dma_wait3A_128] : memref<10000x128xf32, #tpu.memory_space<vmem_shared>> -> memref<640x128xf32, #tpu.memory_space<vmem_shared>>
          tpu.wait_dma2 semaphore(%run_scoped3A_121 : memref<!tpu.dma_semaphore, #tpu.memory_space<semaphore_mem>>) src(%dma_wait3A_129 : memref<640x128xf32, #tpu.memory_space<vmem_shared>>) dst(%dma_wait3A_127 : memref<640x128xf32, #tpu.memory_space<hbm>>)
          tpu.yield
        }) : () -> ()
      } else {
      }
      %eq3A_113 = arith.constant 15 : i32
      %eq3A_114 = arith.cmpi eq, %arg1, %eq3A_113 : i32
      %convert_element_type3A_115 = arith.extui %eq3A_114 : i1 to i32
      %cond3A_116 = arith.constant 0 : i32
      %cond3A_117 = arith.cmpi ne, %convert_element_type3A_115, %cond3A_116 : i32
      scf.if %cond3A_117 {
        "tpu.region"() ({
          %run_scoped3A_118 = tpu.sem_alloc : memref<!tpu.dma_semaphore, #tpu.memory_space<semaphore_mem>>
          %dma_start3A_119 = arith.constant 9600 : i32
          %dma_start3A_120 = arith.constant 0 : i32
          %dma_start3A_121 = tpu.memref_slice %arg9[%dma_start3A_119, %dma_start3A_120] : memref<10000x128xf32, #tpu.memory_space<hbm>> -> memref<400x128xf32, #tpu.memory_space<hbm>>
          %dma_start3A_122 = arith.constant 9600 : i32
          %dma_start3A_123 = arith.constant 0 : i32
          %dma_start3A_124 = tpu.memref_slice %arg16[%dma_start3A_122, %dma_start3A_123] : memref<10000x128xf32, #tpu.memory_space<vmem_shared>> -> memref<400x128xf32, #tpu.memory_space<vmem_shared>>
          tpu.enqueue_dma source(%dma_start3A_124 : memref<400x128xf32, #tpu.memory_space<vmem_shared>>) target(%dma_start3A_121 : memref<400x128xf32, #tpu.memory_space<hbm>>) target_semaphore(%run_scoped3A_118 : memref<!tpu.dma_semaphore, #tpu.memory_space<semaphore_mem>>)
          %dma_wait3A_125 = arith.constant 9600 : i32
          %dma_wait3A_126 = arith.constant 0 : i32
          %dma_wait3A_127 = tpu.memref_slice %arg9[%dma_wait3A_125, %dma_wait3A_126] : memref<10000x128xf32, #tpu.memory_space<hbm>> -> memref<400x128xf32, #tpu.memory_space<hbm>>
          %dma_wait3A_128 = arith.constant 9600 : i32
          %dma_wait3A_129 = arith.constant 0 : i32
          %dma_wait3A_130 = tpu.memref_slice %arg16[%dma_wait3A_128, %dma_wait3A_129] : memref<10000x128xf32, #tpu.memory_space<vmem_shared>> -> memref<400x128xf32, #tpu.memory_space<vmem_shared>>
          tpu.wait_dma2 semaphore(%run_scoped3A_118 : memref<!tpu.dma_semaphore, #tpu.memory_space<semaphore_mem>>) src(%dma_wait3A_130 : memref<400x128xf32, #tpu.memory_space<vmem_shared>>) dst(%dma_wait3A_127 : memref<400x128xf32, #tpu.memory_space<hbm>>)
          tpu.yield
        }) : () -> ()
      } else {
      }
    } else {
    }
    return
  }
}

</mosaic_0001>

<sc_bundles>
// kernel: _segsum.3.cloned.1.call-start
scs
__scs_entry_jumppad:
0x0: {  	(pc) =	sbr.rel $0x88, $3  }
0x1: {  	(tag) =	ssettag $0x0;
	lr =	simm.s32 $0x1  }
0x2: {  	[smem:$0x3F9B] =	sst lr;
	_ =	strace $0xD0000000  }
0x3: {  	_ = 	snop  }
0x4: {  	_ = 	snop  }
0x5: {  	_ = 	snop  }
0x6: {  	_ = 	snop  }
0x7: {  	_ = 	snop  }
__scs_overlays_trampoline_lowered:
0x8: {  	[smem:$0x3FAA] =	sst s0  }
0x9: {  	[smem:$0x3FAB] =	sst s1  }
0xa: {  	[smem:$0x3FAC] =	sst s2  }
0xb: {  	[smem:$0x3FAD] =	sst s3  }
0xc: {  	[smem:$0x3FAE] =	sst s4  }
0xd: {  	[smem:$0x3FAF] =	sst s5  }
0xe: {  	[smem:$0x3FB0] =	sst s6  }
0xf: {  	[smem:$0x3FB1] =	sst s7  }
0x10: {  	[smem:$0x3FB2] =	sst s8  }
0x11: {  	[smem:$0x3FB3] =	sst s9;
	s0 =	simm.s32 @!p0 $0x0  }
0x12: {  	s1 =	sld [smem:$0x3F99];
	s0 =	simm.s32 @p0 $0x1  }
0x13: {  	[smem:$0x3FB4] =	sst s0;
	s0 =	simm.s32 @!p1 $0x0  }
0x14: {  	s2 =	sld [smem:$0x3F98];
	s0 =	simm.s32 @p1 $0x1  }
0x15: {  	[smem:$0x3FB5] =	sst s0;
	s0 =	simm.s32 @!p2 $0x0  }
0x16: {  	s3 =	sld [smem:$0x3FDB];
	s0 =	simm.s32 @p2 $0x1  }
0x17: {  	s4 =	simm.s32 $0x1BF5;
	[smem:$0x3FB7] =	sst s0  }
0x18: {  	s0 =	sld [smem:$0x3F9A];
	_ =	swait.ge [sflag:s4], $0x0  }
0x19: {  	s7 =	sld [smem:$0x3F9B]  }
0x1a: {  	s8 =	sadd.s32 $0xFFFFE003, lr  }
0x1b: {  	s9 =	sadd.s32 $0xFFFFFEF7, lr;
	s5 =	simm.s32 $0xFFFFFFFF;
	p2 =	slt.u32 s8, $0xFFFFF086  }
0x1c: {  	p1 =	slt.u32 s9, $0xF7A;
	s5 =	simm.s32 @!p2 $0x0  }
0x1d: {  	s5 =	simm.s32 @p1 $0x1;
	p0 =	seq.s32 s7, s2  }
0x1e: {  	s7 =	smul.u32 @!p0 $0xF7A, s2;
	p2 =	seq.s32 @!p0 s5, $0x0  }
0x1f: {  	s9 =	smul.u32 $0xF7A, s1;
	s8 =	simm.s32 @!p0 $0x1BF5;
	p2 =	por !p2, p0  }
0x20: {  	[sflag:s8] =	ssyncset.s32 @!p0 $0xFFFFF086;
	s6 =	sadd.s32 @!p0 s3, s7;
	s7 =	simm.s32 @!p0 $0x108  }
0x21: {  	s3 =	sadd.s32 s3, s9;
	s6 =	sadd.s32 @!p0 $0x88, s6;
	s7 =	simm.s32 @p2 $0x1082  }
0x22: {  	[simem:s7], [sflag:s8] =	dma.local @!p0 [hbm:s6], $0xF7A  }
0x23: {  	s9 =	sor.u32 $0xD0000000, s2;
	s6 =	simm.s32 $0x108;
	_ =	swait.ge @!p0 [sflag:s8], $0x0  }
0x24: {  	s3 =	sadd.s32 $0x88, s3;
	s6 =	simm.s32 @!p1 $0x1082;
	[sflag:s4] =	ssyncset.s32 $0xFFFFF086  }
0x25: {  	[simem:s6], [sflag:s4] =	dma.local [hbm:s3], $0xF7A  }
0x26: {  	[smem:$0x3F9B] =	sst s1;
	(tag) =	ssettag s2;
	_ =	strace s9  }
0x27: {  	s1 =	sld [smem:$0x3FAB]  }
0x28: {  	s2 =	sld [smem:$0x3FAC]  }
0x29: {  	s4 =	sld [smem:$0x3FAE]  }
0x2a: {  	p0 =	seq.s32 s5, $0x0;
	s5 =	sld [smem:$0x3FAF]  }
0x2b: {  	s6 =	sld [smem:$0x3FB0]  }
0x2c: {  	s7 =	sld [smem:$0x3FB1]  }
0x2d: {  	s3 =	simm.s32 $0x108;
	s8 =	sld [smem:$0x3FB2]  }
0x2e: {  	s3 =	simm.s32 @!p0 $0x1082;
	s9 =	sld [smem:$0x3FB3]  }
0x2f: {  	lr =	sadd.s32 s0, s3;
	s0 =	sld [smem:$0x3FAA]  }
0x30: {  	s3 =	sld [smem:$0x3FAD]  }
0x31: {  	[smem:$0x3FB6] =	sst s10  }
0x32: {  	s10 =	sld [smem:$0x3FB4];
	_ =	sdelay $0x3  }
0x33: {  	p0 =	seq.s32 s10, $0x1;
	s10 =	sld [smem:$0x3FB6];
	_ =	sdelay $0x3  }
0x34: {  	[smem:$0x3FB6] =	sst s10  }
0x35: {  	s10 =	sld [smem:$0x3FB5];
	_ =	sdelay $0x3  }
0x36: {  	p1 =	seq.s32 s10, $0x1;
	s10 =	sld [smem:$0x3FB6];
	_ =	sdelay $0x3  }
0x37: {  	[smem:$0x3FB6] =	sst s10  }
0x38: {  	s10 =	sld [smem:$0x3FB7]  }
0x39: {  	_ = 	snop;
	(pc) =	sbr.ind lr, $3  }
0x3a: {  	_ = 	snop  }
0x3b: {  	_ = 	snop  }
0x3c: {  	p2 =	seq.s32 s10, $0x1;
	s10 =	sld [smem:$0x3FB6]  }
0x3d: {  	_ =	shalt  }
0x3e: {  	_ =	shalt  }
0x3f: {  	_ =	shalt  }
0x40: {  	_ =	shalt  }
0x41: {  	_ =	shalt  }
0x42: {  	_ =	shalt  }
0x43: {  	_ =	shalt  }
0x44: {  	_ =	shalt  }
0x45: {  	_ =	shalt  }
0x46: {  	_ =	shalt  }
0x47: {  	_ =	shalt  }
0x48: {  	_ =	shalt  }
0x49: {  	_ =	shalt  }
0x4a: {  	_ =	shalt  }
0x4b: {  	_ =	shalt  }
0x4c: {  	_ =	shalt  }
0x4d: {  	_ =	shalt  }
0x4e: {  	_ =	shalt  }
0x4f: {  	_ =	shalt  }
0x50: {  	_ =	shalt  }
0x51: {  	_ =	shalt  }
0x52: {  	_ =	shalt  }
0x53: {  	_ =	shalt  }
0x54: {  	_ =	shalt  }
0x55: {  	_ =	shalt  }
0x56: {  	_ =	shalt  }
0x57: {  	_ =	shalt  }
0x58: {  	_ =	shalt  }
0x59: {  	_ =	shalt  }
0x5a: {  	_ =	shalt  }
0x5b: {  	_ =	shalt  }
0x5c: {  	_ =	shalt  }
0x5d: {  	_ =	shalt  }
0x5e: {  	_ =	shalt  }
0x5f: {  	_ =	shalt  }
0x60: {  	_ =	shalt  }
0x61: {  	_ =	shalt  }
0x62: {  	_ =	shalt  }
0x63: {  	_ =	shalt  }
0x64: {  	_ =	shalt  }
0x65: {  	_ =	shalt  }
0x66: {  	_ =	shalt  }
0x67: {  	_ =	shalt  }
0x68: {  	_ =	shalt  }
0x69: {  	_ =	shalt  }
0x6a: {  	_ =	shalt  }
0x6b: {  	_ =	shalt  }
0x6c: {  	_ =	shalt  }
0x6d: {  	_ =	shalt  }
0x6e: {  	_ =	shalt  }
0x6f: {  	_ =	shalt  }
0x70: {  	_ =	shalt  }
0x71: {  	_ =	shalt  }
0x72: {  	_ =	shalt  }
0x73: {  	_ =	shalt  }
0x74: {  	_ =	shalt  }
0x75: {  	_ =	shalt  }
0x76: {  	_ =	shalt  }
0x77: {  	_ =	shalt  }
0x78: {  	_ =	shalt  }
0x79: {  	_ =	shalt  }
0x7a: {  	_ =	shalt  }
0x7b: {  	_ =	shalt  }
0x7c: {  	_ =	shalt  }
0x7d: {  	_ =	shalt  }
0x7e: {  	_ =	shalt  }
0x7f: {  	_ =	shalt  }
0x80: {  	_ =	shalt  }
0x81: {  	_ =	shalt  }
0x82: {  	_ =	shalt  }
0x83: {  	_ =	shalt  }
0x84: {  	_ =	shalt  }
0x85: {  	_ =	shalt  }
0x86: {  	_ =	shalt  }
0x87: {  	_ =	shalt  }
.Lfunc_end0:
.L_simem_size_0:
called_computation_lowered:
.L_overlay_start_0:
0x88: {  	s2 =	sld [smem:$0x3FD9]  }
0x89: {  	s3 =	sld [smem:$0x3FFE];
	_ =	sdelay $0x1  }
0x8a: {  	s1 =	srdreg.scid  }
0x8b: {  	s0 =	sand.u32 $0x1, s1  }
0x8c: {  	s14 =	sshll.u32 s0, $0xA;
	s2 =	sadd.s32 s3, s2  }
0x8d: {  	s2 =	sadd.s32 s2, s14  }
0x8e: {  	[smem:$0x3FC2] =	sst s2  }
0x8f: {  	_ = 	snop  }
0x90: {  	s2 =	sld [smem:$0x3FD0];
	_ =	sdelay $0x1  }
0x91: {  	s15 =	sld [smem:$0x3FC9]  }
0x92: {  	s5 =	simm.s32 $0xA;
	s6 =	simm.s32 $0x10;
	s4 =	sld [smem:$0x3FC8]  }
0x93: {  	[smem:s6], [sflag:s5] =	dma.local [hbm:s2], $0x1  }
0x94: {  	_ =	swait.eq [sflag:s5], $0x1  }
0x95: {  	[sflag:s5] =	ssyncset.done $0x0  }
0x96: {  	s16 =	sld [smem:$0x10];
	[sflag:s5] =	ssyncadd.s32 $0xFFFFFFFF  }
0x97: {  	s17 =	sld [smem:$0x11];
	(tm) =	ssettm $0x1  }
0x98: {  	s18 =	sld [smem:$0x3FFB];
	_ =	sdelay $0x3  }
0x99: {  	_ =	strace s18  }
0x9a: {  	s6 =	sld [smem:$0x3FFC];
	_ =	sdelay $0x3  }
0x9b: {  	_ =	strace s6  }
0x9c: {  	s6 =	sld [smem:$0x3FFD];
	_ =	sdelay $0x3  }
0x9d: {  	_ =	strace s6  }
0x9e: {  	_ =	strace $0x8FFFFFFF  }
0x9f: {  	s19 =	sld [smem:$0x3FDB];
	_ =	sdelay $0x1  }
0xa0: {  	s7 =	simm.s32 $_scs_section_size  }
0xa1: {  	s8 =	simm.s32 $_size__tile_overlayer_lowered;
	s9 =	simm.s32 $_tile_overlayer_lowered  }
0xa2: {  	s22 =	simm.s32 $0x1BFF;
	s21 =	sshll.u32 s9, $0x1;
	s6 =	sadd.s32 s7, s19  }
0xa3: {  	s10 =	simm.s32 $0x0;
	s20 =	sshll.u32 s8, $0x1;
	s8 =	sadd.s32 s21, s6  }
0xa4: {  	[timem:s10], [sflag:s22] =	dma.local [hbm:s8], s20  }
0xa5: {  	_ =	swait.ge [sflag:s22], s20  }
0xa6: {  	s7 =	ssub.s32 $0x0, s20;
	[sflag:s22] =	ssyncset.done $0x0  }
0xa7: {  	[sflag:s22] =	ssyncadd.s32 s7;
	_ =	sdelay $0x1  }
0xa8: {  	s23 =	simm.s32 $0x1B8B  }
0xa9: {  	_ =	swait.ge [sflag:s23], $0x1  }
0xaa: {  	[sflag:s23] =	ssyncset.done $0x0  }
0xab: {  	s25 =	simm.s32 $0x1B8E;
	s24 =	sld [smem:$0x3FFE];
	[sflag:s23] =	ssyncadd.s32 $0xFFFFFFFF  }
0xac: {  	s26 =	simm.s32 $execute0_lowered;
	[smem:$0x3FD2] =	sst s25  }
0xad: {  	s8 =	sshll.u32 s26, $0x1;
	_ =	strace $0x80000046;
	[dreg:$0x1] =	wrdreg $0xFFFFFFFF  }
0xae: {  	s28 =	simm.s32 $_size_execute0_lowered;
	s6 =	sadd.s32 s6, s8;
	[dreg:$0x0] =	wrdreg $0x0  }
0xaf: {  	s8 =	sshll.u32 s28, $0x1;
	[dreg:$0x2] =	wrdreg s6  }
0xb0: {  	[dreg:$0x3] =	wrdreg s8  }
0xb1: {  	[dreg:$0x4] =	wrdreg $0xC0  }
0xb2: {  	_ =	task [dreg:s10], $0x5FFFF  }
0xb3: {  	[dreg:$0x1] =	wrdreg $0xFFFFFFFF  }
0xb4: {  	[dreg:$0x0] =	wrdreg $0x60  }
0xb5: {  	[dreg:$0x2] =	wrdreg s15  }
0xb6: {  	[dreg:$0x3] =	wrdreg s4  }
0xb7: {  	[dreg:$0x4] =	wrdreg s24  }
0xb8: {  	[dreg:$0x5] =	wrdreg s16  }
0xb9: {  	[dreg:$0x6] =	wrdreg s17  }
0xba: {  	[dreg:$0x7] =	wrdreg $0xBE200  }
0xbb: {  	[dreg:$0x8] =	wrdreg $0x9  }
0xbc: {  	_ =	task.clear_ibuf [dreg:s10], $0x9FFFF;
	_ =	strace $0x90000046  }
0xbd: {  	s29 =	simm.s32 $0x9;
	_ =	strace $0x80000048  }
0xbe: {  	_ =	swait.ge [sflag:s29], $0x1  }
0xbf: {  	[sflag:s29] =	ssyncadd.s32 $0xFFFFFFFF  }
0xc0: {  	_ =	strace $0x90000048  }
0xc1: {  	_ =	sfence  }
0xc2: {  	s30 =	sld [smem:$0x0];
	_ =	sdelay $0x2  }
0xc3: {  	s31 =	sshll.u32 s1, $0xD;
	s1 =	sshrl.u32 s1, $0x2  }
0xc4: {  	s3 =	sand.u32 $0x4000, s31;
	s1 =	sadd.s32 s1, s30  }
0xc5: {  	s0 =	sor.u32 s3, s0;
	s1 =	sshll.u32 s1, $0x11  }
0xc6: {  	s0 =	sor.u32 s1, s0  }
0xc7: {  	s0 =	sadd.s32 $0x8F2B, s0  }
0xc8: {  	[sflag:s0] =	ssyncadd.remote.s32 $0x1  }
0xc9: {  	_ =	sfence.sel $0xFFFF  }
0xca: {  	[dreg:$0x0] =	wrdreg $0xFFFFFFFF;
	(pc) =	sbr.abs _section_cstart, $3  }
0xcb: {  	[dreg:$0x1] =	wrdreg $0xFFFFFFFF  }
0xcc: {  	_ =	task.clear_ibuf [dreg:s10], $0x2FFFF;
	_ =	strace $0x9FFFFFFF  }
0xcd: {  	(tm) =	ssettm $0x7FFFFFFF  }
tec
execute0_lowered:
.L_overlay_start_1:
0x0: {  	(tag) =	ssettag $0x1  }
0x1: {  	s1 =	rddreg [dreg:$0x0]  }
0x2: {  	s2 =	rddreg [dreg:$0x1]  }
0x3: {  	s0 =	rddreg [dreg:$0x2]  }
0x4: {  	s11 =	rddreg [dreg:$0x3]  }
0x5: {  	s13 =	rddreg [dreg:$0x4]  }
0x6: {  	s4 =	rddreg [dreg:$0x5];
	s6 =	srdreg.scid;
	s5 =	simm.s32 $0x0  }
0x7: {  	s3 =	stileid.u32;
	s20 =	simm.s32 $0x4DE0;
	s21 =	simm.s32 $0x4  }
0x8: {  	s28 =	simm.s32 $0x70;
	s29 =	simm.s32 $0x8620;
	s30 =	simm.s32 $0x20  }
0x9: {  	s12 =	sand.u32 $0x1, s6;
	[smem:$0x7FF] =	sst s5;
	s22 =	smul.u32 $0x4DE, s3  }
0xa: {  	s8 =	sshll.u32 s3, $0x2;
	s14 =	smul.u32 $0x14000, s3;
	p0 =	seq.s32 s3, $0xF  }
0xb: {  	s16 =	smul.u32 $0x50000, s3;
	s25 =	sadd.s32 $0x25800, s11;
	s26 =	sadd.s32 $0x25800, s13  }
0xc: {  	s7 =	ssub.s32 $0x2, s12;
	_ =	strace $0x80000047;
	[dreg:$0x9] =	wrdreg s25  }
0xd: {  	p1 =	seq.s32 s12, $0x1;
	[dreg:$0xb] =	wrdreg s26;
	s25 =	simm.s32 $0x2  }
0xe: {  	s26 =	simm.s32 $0x3;
	s9 =	sshrl.u32 s7, $0x1;
	s10 =	sadd.s32 s22, s0  }
0xf: {  	s0 =	sadd.s32 s8, s0;
	s23 =	sshrl.u32 s14, $0x3;
	s12 =	sadd.s32 s14, s4  }
0x10: {  	s14 =	sadd.s32 $0x12C000, s4;
	s31 =	sshrl.u32 s16, $0x2;
	s22 =	simm.s32 $0x4E00  }
0x11: {  	s15 =	ssub.s32 s7, s9;
	s6 =	sadd.s32 $0xC00, s10;
	s7 =	sadd.s32 $0x5A00, s10  }
.Ltmp0:
0x12: {  	s8 =	sadd.s32 $0x800, s0;
	s9 =	simm.s32 $0x5;
	(pc) =	sbr.rel .LBB2_1-.Ltmp0, $4  }
0x13: {  	s10 =	sadd.s32 $0xA00, s0;
	s24 =	sadd.s32 s11, s23;
	[dreg:$0x7] =	wrdreg s6  }
0x14: {  	s0 =	sadd.s32 s13, s23;
	s18 =	sadd.s32 s31, s4;
	[dreg:$0x8] =	wrdreg s24  }
0x15: {  	s23 =	simm.s32 $0x4E20;
	s9 =	simm.s32 @!p0 $0x8;
	[dreg:$0xa] =	wrdreg s0  }
0x16: {  	v0 =	vimm.f32 $0.0e+00;
	s17 =	smax.u32 s15, $0x1;
	s24 =	simm.s32 $0x1;
	s0 =	simm.s32 $0x0  }
.LBB2_10:
0x17: {  	s3 =	sadd.s32 $0x70, s15;
	[sflag:s21] =	ssyncadd.s32 $0xFFFFC800  }
0x18: {  	[tilespmem:s29], [sflag:$0x2] =	stream.indirect.gather [hbm4b:s1+s28], $0x80, s3, s28, $0xb8;
	[tilespmem:$0x1F6A0] =	vst v63  }
0x19: {  	_ =	swait.ge [sflag:s24], $0x3800  }
0x1a: {  	[sflag:s24] =	ssyncset.done $0x0  }
0x1b: {  	s31 =	sadd.s32 $0x26F0, s15;
	[sflag:s24] =	ssyncadd.s32 $0xFFFFC800  }
0x1c: {  	[spmem:s4] =	stream.indirect.scatter.add.f32 [tilespmem:s23], [sflag:$0x4], $0x80, s31, s28, $0xb8;
	[tilespmem:$0x1F6A0] =	vst v63  }
0x1d: {  	_ =	swait.ge [sflag:s21], $0x3800  }
0x1e: {  	[sflag:s21] =	ssyncset.done $0x0  }
0x1f: {  	s6 =	sadd.s32 $0xE0, s15;
	[sflag:s21] =	ssyncadd.s32 $0xFFFFC800  }
0x20: {  	[tilespmem:s23], [sflag:$0x1] =	stream.indirect.gather [hbm4b:s1+s28], $0x80, s6, s28, $0xb8;
	[tilespmem:$0x1F6A0] =	vst v63  }
0x21: {  	_ =	swait.ge [sflag:s25], $0x3800  }
0x22: {  	[sflag:s25] =	ssyncset.done $0x0  }
0x23: {  	s16 =	sadd.s32 $0x2760, s15;
	[sflag:s25] =	ssyncadd.s32 $0xFFFFC800  }
0x24: {  	[spmem:s4] =	stream.indirect.scatter.add.f32 [tilespmem:s29], [sflag:$0x4], $0x80, s16, s28, $0xb8;
	[tilespmem:$0x1F6A0] =	vst v63  }
0x25: {  	_ =	swait.ge [sflag:s21], $0x3800  }
0x26: {  	[sflag:s21] =	ssyncset.done $0x0  }
0x27: {  	[sflag:s21] =	ssyncadd.s32 $0xFFFFC800  }
0x28: {  	[tilespmem:s29], [sflag:$0x2] =	stream.indirect.gather [hbm4b:s1+s30], $0x80, s20, s30, $0xb8;
	[tilespmem:$0x1F6A0] =	vst v63  }
0x29: {  	_ =	swait.ge [sflag:s24], $0x3800  }
0x2a: {  	[sflag:s24] =	ssyncset.done $0x0  }
0x2b: {  	s31 =	simm.s32 $0x4D70;
	[sflag:s24] =	ssyncadd.s32 $0xFFFFC800  }
0x2c: {  	[spmem:s4] =	stream.indirect.scatter.add.f32 [tilespmem:s23], [sflag:$0x4], $0x80, s31, s28, $0xb8;
	[tilespmem:$0x1F6A0] =	vst v63  }
0x2d: {  	_ =	swait.ge [sflag:s21], $0x3800  }
0x2e: {  	[sflag:s21] =	ssyncset.done $0x0  }
0x2f: {  	[sflag:s21] =	ssyncadd.s32 $0xFFFFC800  }
0x30: {  	_ =	swait.ge [sflag:s25], $0x1000  }
0x31: {  	[sflag:s25] =	ssyncset.done $0x0  }
0x32: {  	[sflag:s25] =	ssyncadd.s32 $0xFFFFF000  }
0x33: {  	[spmem:s4] =	stream.indirect.scatter.add.f32 [tilespmem:s29], [sflag:$0x4], $0x80, s22, s30, $0xb8;
	[tilespmem:$0x1F6A0] =	vst v63  }
0x34: {  	_ =	swait.ge [sflag:s21], $0x1000  }
0x35: {  	[sflag:s21] =	ssyncset.done $0x0  }
0x36: {  	[sflag:s21] =	ssyncadd.s32 $0xFFFFF000  }
0x37: {  	[bflag:$0x0] =	sbarrier.arrive $0xFFFF  }
0x38: {  	s3 =	simm.s32 @p0 $0x1FC4;
	s6 =	rddreg [dreg:$0x9]  }
0x39: {  	[hbm:s6], [sflag:s3] =	dma.local @p0 [spmem:s13], $0x1900  }
0x3a: {  	s3 =	simm.s32 @p0 $0x4  }
0x3b: {  	_ =	swait.ge @p0 [sflag:s3], $0x1900  }
0x3c: {  	[sflag:s3] =	ssyncset.done @p0 $0x0  }
0x3d: {  	[sflag:s3] =	ssyncadd.s32 @p0 $0xFFFFE700;
	s3 =	rddreg [dreg:$0x8]  }
0x3e: {  	[hbm:s3], [sflag:s11] =	dma.local @!p0 [spmem:s19], $0x2800  }
0x3f: {  	s3 =	simm.s32 @!p0 $0x4  }
0x40: {  	_ =	swait.ge @!p0 [sflag:s3], $0x2800  }
0x41: {  	[sflag:s3] =	ssyncset.done @!p0 $0x0  }
0x42: {  	[sflag:s3] =	ssyncadd.s32 @!p0 $0xFFFFD800  }
.LBB2_14:
0x43: {  	s0 =	sadd.s32 $0x1, s0  }
0x44: {  	p2 =	sne.s32 s0, s17  }
.Ltmp1:
0x45: {  	_ = 	snop;
	(pc) =	sbr.rel @!p2 .LBB2_15-.Ltmp1, $1  }
0x46: {  	_ =	sdelay $0x3  }
.LBB2_1:
0x47: {  	s3 =	rddreg [dreg:$0x7]  }
0x48: {  	[tilespmem:s5], [sflag:$0x1] =	stream.linear.gather [hbm4b:s3+s5], $0x26F0, $0x38;
	[tilespmem:$0x1F6A0] =	vst v63  }
0x49: {  	s31 =	simm.s32 $0x26F0  }
0x4a: {  	[tilespmem:s31], [sflag:$0x2] =	stream.linear.gather [hbm4b:s7+s5], $0x26F0, $0x38;
	[tilespmem:$0x1F6A0] =	vst v63  }
0x4b: {  	_ = 	snop  }
0x4c: {  	[tilespmem:s20], [sflag:$0x4] =	stream.linear.gather [hbm4b:s8+s5], $0x20, $0x38;
	[tilespmem:$0x1F6A0] =	vst v63  }
0x4d: {  	_ =	swait.ge [sflag:s21], $0x20  }
0x4e: {  	[sflag:s21] =	ssyncset.done $0x0  }
0x4f: {  	[sflag:s21] =	ssyncadd.s32 $0xFFFFFFE0  }
0x50: {  	[tilespmem:s22], [sflag:$0x4] =	stream.linear.gather [hbm4b:s10+s5], $0x20, $0x38;
	[tilespmem:$0x1F6A0] =	vst v63  }
0x51: {  	_ =	swait.ge [sflag:s21], $0x20  }
0x52: {  	[sflag:s21] =	ssyncset.done $0x0  }
0x53: {  	s11 =	simm.s32 $0x0;
	s13 =	simm.s32 $0x200;
	[sflag:s21] =	ssyncadd.s32 $0xFFFFFFE0  }
.LBB2_2:
0x54: {  	p2 =	sne.s32 s13, $0x9E00;
	[tilespmem:s11+$0x4E90] =	vst v0  }
0x55: {  	[tilespmem:s11+$0x4E20] =	vst v0  }
0x56: {  	[tilespmem:s11+$0x4E30] =	vst v0  }
.Ltmp2:
0x57: {  	[tilespmem:s11+$0x4E40] =	vst v0;
	(pc) =	sbr.rel @p2 .LBB2_2-.Ltmp2, $4  }
0x58: {  	[tilespmem:s11+$0x4E50] =	vst v0  }
0x59: {  	[tilespmem:s11+$0x4E60] =	vst v0  }
0x5a: {  	[tilespmem:s11+$0x4E70] =	vst v0  }
0x5b: {  	[tilespmem:s11+$0x4E80] =	vst v0;
	s11 =	sshra.s32 s13, $0x2;
	s13 =	sadd.s32 $0x200, s13  }
0x5c: {  	[tilespmem:s11+$0x4E90] =	vst v0  }
0x5d: {  	[tilespmem:s11+$0x4E20] =	vst v0  }
0x5e: {  	[tilespmem:s11+$0x4E30] =	vst v0  }
0x5f: {  	[tilespmem:s11+$0x4E40] =	vst v0;
	p2 =	sne.s32 s9, $0x1  }
.Ltmp3:
0x60: {  	[tilespmem:s11+$0x4E50] =	vst v0;
	(pc) =	sbr.rel @!p2 .LBB2_5-.Ltmp3, $4  }
0x61: {  	[tilespmem:s11+$0x4E60] =	vst v0  }
0x62: {  	[tilespmem:s11+$0x4E70] =	vst v0  }
0x63: {  	[tilespmem:s11+$0x4E80] =	vst v0;
	s11 =	sadd.s32 $0xFFFFFFFF, s9;
	s13 =	smov.u32 s18  }
0x64: {  	[spmem:s18] =	stream.linear.scatter [tilespmem:s23], [sflag:$0x3], $0x2800, $0x38;
	[tilespmem:$0x1F6A0] =	vst v63  }
.LBB2_4:
0x65: {  	p3 =	sne.s32 s11, $0x1  }
.Ltmp4:
0x66: {  	_ = 	snop;
	(pc) =	sbr.rel @p3 .LBB2_4-.Ltmp4, $3  }
0x67: {  	_ = 	snop  }
0x68: {  	s11 =	sadd.s32 $0xFFFFFFFF, s11;
	s13 =	sadd.s32 $0x2800, s13;
	_ =	sdelay $0x1  }
0x69: {  	[spmem:s13] =	stream.linear.scatter [tilespmem:s23], [sflag:$0x3], $0x2800, $0x38;
	[tilespmem:$0x1F6A0] =	vst v63  }
.LBB2_5:
0x6a: {  	_ =	swait.ge [sflag:s24], $0x26F0  }
0x6b: {  	[sflag:s24] =	ssyncset.done $0x0  }
0x6c: {  	[sflag:s24] =	ssyncadd.s32 $0xFFFFD910  }
.Ltmp5:
0x6d: {  	_ =	swait.ge [sflag:s25], $0x26F0;
	(pc) =	sbr.rel @!p2 .LBB2_7-.Ltmp5, $4  }
0x6e: {  	[sflag:s25] =	ssyncset.done $0x0  }
0x6f: {  	[sflag:s25] =	ssyncadd.s32 $0xFFFFD910  }
0x70: {  	_ =	swait.ge [sflag:s26], $0x2800  }
0x71: {  	s11 =	sadd.s32 $0xFFFFFFFF, s9;
	[sflag:s26] =	ssyncset.done $0x0  }
.LBB2_6:
0x72: {  	p2 =	sne.s32 s11, $0x1;
	s11 =	sadd.s32 $0xFFFFFFFF, s11;
	[sflag:s26] =	ssyncadd.s32 $0xFFFFD800  }
.Ltmp6:
0x73: {  	(pc) =	sbr.rel @p2 .LBB2_6-.Ltmp6, $3  }
0x74: {  	_ =	sdelay $0x1  }
0x75: {  	_ =	swait.ge [sflag:s26], $0x2800  }
0x76: {  	[sflag:s26] =	ssyncset.done $0x0  }
.LBB2_7:
.Ltmp7:
0x77: {  	(pc) =	sbr.rel @!p1 .LBB2_8-.Ltmp7, $4  }
0x78: {  	_ = 	snop  }
0x79: {  	[sflag:s26] =	ssyncadd.s32 $0xFFFFD800;
	s3 =	stileid.u32  }
0x7a: {  	[bflag:$0x0] =	sbarrier.arrive $0xFFFF;
	s11 =	sshll.u32 @!p0 s3, $0x6  }
0x7b: {  	s13 =	sshrl.u32 @p0 s14, $0x3;
	s19 =	sshrl.u32 @!p0 s12, $0x3;
	s11 =	sor.u32 @!p0 $0x1C04, s11  }
0x7c: {  	s3 =	simm.s32 $0x0  }
0x7d: {  	[tilespmem:s23], [sflag:$0x1] =	stream.indirect.gather [hbm4b:s2+s28], $0x80, s3, s28, $0xb8;
	[tilespmem:$0x1F6A0] =	vst v63  }
0x7e: {  	s6 =	simm.s32 $0x70  }
0x7f: {  	[tilespmem:s29], [sflag:$0x2] =	stream.indirect.gather [hbm4b:s2+s28], $0x80, s6, s28, $0xb8;
	[tilespmem:$0x1F6A0] =	vst v63  }
0x80: {  	_ =	swait.ge [sflag:s24], $0x3800  }
0x81: {  	[sflag:s24] =	ssyncset.done $0x0  }
0x82: {  	s15 =	simm.s32 $0x26F0;
	[sflag:s24] =	ssyncadd.s32 $0xFFFFC800  }
0x83: {  	[spmem:s4] =	stream.indirect.scatter.add.f32 [tilespmem:s23], [sflag:$0x4], $0x80, s15, s28, $0xb8;
	[tilespmem:$0x1F6A0] =	vst v63  }
0x84: {  	_ =	swait.ge [sflag:s21], $0x3800  }
0x85: {  	[sflag:s21] =	ssyncset.done $0x0  }
0x86: {  	s16 =	simm.s32 $0xE0;
	[sflag:s21] =	ssyncadd.s32 $0xFFFFC800  }
0x87: {  	[tilespmem:s23], [sflag:$0x1] =	stream.indirect.gather [hbm4b:s2+s28], $0x80, s16, s28, $0xb8;
	[tilespmem:$0x1F6A0] =	vst v63  }
0x88: {  	_ =	swait.ge [sflag:s25], $0x3800  }
0x89: {  	[sflag:s25] =	ssyncset.done $0x0  }
0x8a: {  	s31 =	simm.s32 $0x2760;
	[sflag:s25] =	ssyncadd.s32 $0xFFFFC800  }
0x8b: {  	[spmem:s4] =	stream.indirect.scatter.add.f32 [tilespmem:s29], [sflag:$0x4], $0x80, s31, s28, $0xb8;
	[tilespmem:$0x1F6A0] =	vst v63  }
0x8c: {  	_ =	swait.ge [sflag:s21], $0x3800  }
0x8d: {  	s15 =	simm.s32 $0xE0;
	s16 =	simm.s32 $0x700;
	[sflag:s21] =	ssyncset.done $0x0  }
.LBB2_12:
0x8e: {  	s3 =	sadd.s32 $0x70, s15  }
0x8f: {  	[sflag:s21] =	ssyncadd.s32 $0xFFFFC800;
	s6 =	smov.u32 s16;
	s31 =	sadd.s32 $0x380, s16  }
0x90: {  	[tilespmem:s29], [sflag:$0x2] =	stream.indirect.gather [hbm4b:s2+s28], $0x80, s3, s28, $0xb8;
	[tilespmem:$0x1F6A0] =	vst v63  }
0x91: {  	p2 =	sne.s32 s16, $0x9680;
	_ =	swait.ge [sflag:s24], $0x3800  }
0x92: {  	[sflag:s24] =	ssyncset.done $0x0  }
0x93: {  	s3 =	sadd.s32 $0x26F0, s15;
	[sflag:s24] =	ssyncadd.s32 $0xFFFFC800  }
0x94: {  	[spmem:s4] =	stream.indirect.scatter.add.f32 [tilespmem:s23], [sflag:$0x4], $0x80, s3, s28, $0xb8;
	[tilespmem:$0x1F6A0] =	vst v63  }
0x95: {  	_ =	swait.ge [sflag:s21], $0x3800  }
0x96: {  	[sflag:s21] =	ssyncset.done $0x0  }
0x97: {  	s3 =	sadd.s32 $0xE0, s15;
	[sflag:s21] =	ssyncadd.s32 $0xFFFFC800  }
0x98: {  	[tilespmem:s23], [sflag:$0x1] =	stream.indirect.gather [hbm4b:s2+s28], $0x80, s3, s28, $0xb8;
	[tilespmem:$0x1F6A0] =	vst v63  }
0x99: {  	_ =	swait.ge [sflag:s25], $0x3800  }
.Ltmp8:
0x9a: {  	[sflag:s25] =	ssyncset.done $0x0;
	(pc) =	sbr.rel @p2 .LBB2_12-.Ltmp8, $4  }
0x9b: {  	s3 =	sadd.s32 $0x2760, s15;
	[sflag:s25] =	ssyncadd.s32 $0xFFFFC800  }
0x9c: {  	[spmem:s4] =	stream.indirect.scatter.add.f32 [tilespmem:s29], [sflag:$0x4], $0x80, s3, s28, $0xb8;
	[tilespmem:$0x1F6A0] =	vst v63  }
0x9d: {  	_ =	swait.ge [sflag:s21], $0x3800  }
0x9e: {  	s16 =	smov.u32 s31;
	s15 =	sshra.s32 s6, $0x2;
	[sflag:s21] =	ssyncset.done $0x0  }
0x9f: {  	s3 =	sadd.s32 $0x70, s15;
	[sflag:s21] =	ssyncadd.s32 $0xFFFFC800  }
0xa0: {  	[tilespmem:s29], [sflag:$0x2] =	stream.indirect.gather [hbm4b:s2+s28], $0x80, s3, s28, $0xb8;
	[tilespmem:$0x1F6A0] =	vst v63  }
0xa1: {  	_ =	swait.ge [sflag:s24], $0x3800  }
0xa2: {  	[sflag:s24] =	ssyncset.done $0x0  }
0xa3: {  	s31 =	sadd.s32 $0x26F0, s15;
	[sflag:s24] =	ssyncadd.s32 $0xFFFFC800  }
0xa4: {  	[spmem:s4] =	stream.indirect.scatter.add.f32 [tilespmem:s23], [sflag:$0x4], $0x80, s31, s28, $0xb8;
	[tilespmem:$0x1F6A0] =	vst v63  }
0xa5: {  	_ =	swait.ge [sflag:s21], $0x3800  }
0xa6: {  	[sflag:s21] =	ssyncset.done $0x0  }
0xa7: {  	s6 =	sadd.s32 $0xE0, s15;
	[sflag:s21] =	ssyncadd.s32 $0xFFFFC800  }
0xa8: {  	[tilespmem:s23], [sflag:$0x1] =	stream.indirect.gather [hbm4b:s2+s28], $0x80, s6, s28, $0xb8;
	[tilespmem:$0x1F6A0] =	vst v63  }
0xa9: {  	_ =	swait.ge [sflag:s25], $0x3800  }
0xaa: {  	[sflag:s25] =	ssyncset.done $0x0  }
0xab: {  	s16 =	sadd.s32 $0x2760, s15;
	[sflag:s25] =	ssyncadd.s32 $0xFFFFC800  }
0xac: {  	[spmem:s4] =	stream.indirect.scatter.add.f32 [tilespmem:s29], [sflag:$0x4], $0x80, s16, s28, $0xb8;
	[tilespmem:$0x1F6A0] =	vst v63  }
0xad: {  	_ =	swait.ge [sflag:s21], $0x3800  }
0xae: {  	[sflag:s21] =	ssyncset.done $0x0  }
0xaf: {  	[sflag:s21] =	ssyncadd.s32 $0xFFFFC800  }
0xb0: {  	[tilespmem:s29], [sflag:$0x2] =	stream.indirect.gather [hbm4b:s2+s30], $0x80, s20, s30, $0xb8;
	[tilespmem:$0x1F6A0] =	vst v63  }
0xb1: {  	_ =	swait.ge [sflag:s24], $0x3800  }
0xb2: {  	[sflag:s24] =	ssyncset.done $0x0  }
0xb3: {  	s31 =	simm.s32 $0x4D70;
	[sflag:s24] =	ssyncadd.s32 $0xFFFFC800  }
0xb4: {  	[spmem:s4] =	stream.indirect.scatter.add.f32 [tilespmem:s23], [sflag:$0x4], $0x80, s31, s28, $0xb8;
	[tilespmem:$0x1F6A0] =	vst v63  }
0xb5: {  	_ =	swait.ge [sflag:s21], $0x3800  }
0xb6: {  	[sflag:s21] =	ssyncset.done $0x0  }
0xb7: {  	[sflag:s21] =	ssyncadd.s32 $0xFFFFC800  }
0xb8: {  	_ =	swait.ge [sflag:s25], $0x1000  }
0xb9: {  	[sflag:s25] =	ssyncset.done $0x0  }
0xba: {  	[sflag:s25] =	ssyncadd.s32 $0xFFFFF000  }
0xbb: {  	[spmem:s4] =	stream.indirect.scatter.add.f32 [tilespmem:s29], [sflag:$0x4], $0x80, s22, s30, $0xb8;
	[tilespmem:$0x1F6A0] =	vst v63  }
0xbc: {  	_ =	swait.ge [sflag:s21], $0x1000  }
0xbd: {  	[sflag:s21] =	ssyncset.done $0x0  }
0xbe: {  	[sflag:s21] =	ssyncadd.s32 $0xFFFFF000  }
0xbf: {  	[bflag:$0x0] =	sbarrier.arrive $0xFFFF  }
0xc0: {  	s3 =	simm.s32 @p0 $0x1FC4;
	s6 =	rddreg [dreg:$0xb]  }
0xc1: {  	[hbm:s6], [sflag:s3] =	dma.local @p0 [spmem:s13], $0x1900  }
0xc2: {  	s3 =	simm.s32 @p0 $0x4  }
0xc3: {  	_ =	swait.ge @p0 [sflag:s3], $0x1900  }
0xc4: {  	[sflag:s3] =	ssyncset.done @p0 $0x0  }
0xc5: {  	[sflag:s3] =	ssyncadd.s32 @p0 $0xFFFFE700;
	s3 =	rddreg [dreg:$0xa]  }
0xc6: {  	[hbm:s3], [sflag:s11] =	dma.local @!p0 [spmem:s19], $0x2800  }
.Ltmp9:
0xc7: {  	_ = 	snop;
	(pc) =	sbr.rel .LBB2_14-.Ltmp9, $4  }
0xc8: {  	s3 =	simm.s32 @!p0 $0x4  }
0xc9: {  	_ =	swait.ge @!p0 [sflag:s3], $0x2800  }
0xca: {  	[sflag:s3] =	ssyncset.done @!p0 $0x0  }
0xcb: {  	[sflag:s3] =	ssyncadd.s32 @!p0 $0xFFFFD800  }
.LBB2_8:
0xcc: {  	s15 =	simm.s32 $0x0  }
0xcd: {  	[tilespmem:s23], [sflag:$0x1] =	stream.indirect.gather [hbm4b:s1+s28], $0x80, s15, s28, $0xb8;
	[tilespmem:$0x1F6A0] =	vst v63  }
0xce: {  	s3 =	simm.s32 $0x70  }
0xcf: {  	[tilespmem:s29], [sflag:$0x2] =	stream.indirect.gather [hbm4b:s1+s28], $0x80, s3, s28, $0xb8;
	[tilespmem:$0x1F6A0] =	vst v63  }
0xd0: {  	_ =	swait.ge [sflag:s24], $0x3800  }
0xd1: {  	[sflag:s24] =	ssyncset.done $0x0  }
0xd2: {  	s6 =	simm.s32 $0x26F0;
	[sflag:s24] =	ssyncadd.s32 $0xFFFFC800  }
0xd3: {  	[spmem:s4] =	stream.indirect.scatter.add.f32 [tilespmem:s23], [sflag:$0x4], $0x80, s6, s28, $0xb8;
	[tilespmem:$0x1F6A0] =	vst v63  }
0xd4: {  	_ =	swait.ge [sflag:s21], $0x3800  }
0xd5: {  	[sflag:s21] =	ssyncset.done $0x0  }
0xd6: {  	s16 =	simm.s32 $0xE0;
	[sflag:s21] =	ssyncadd.s32 $0xFFFFC800  }
0xd7: {  	[tilespmem:s23], [sflag:$0x1] =	stream.indirect.gather [hbm4b:s1+s28], $0x80, s16, s28, $0xb8;
	[tilespmem:$0x1F6A0] =	vst v63  }
0xd8: {  	_ =	swait.ge [sflag:s25], $0x3800  }
0xd9: {  	[sflag:s25] =	ssyncset.done $0x0  }
0xda: {  	s31 =	simm.s32 $0x2760;
	[sflag:s25] =	ssyncadd.s32 $0xFFFFC800  }
0xdb: {  	[spmem:s4] =	stream.indirect.scatter.add.f32 [tilespmem:s29], [sflag:$0x4], $0x80, s31, s28, $0xb8;
	[tilespmem:$0x1F6A0] =	vst v63  }
0xdc: {  	_ =	swait.ge [sflag:s21], $0x3800  }
0xdd: {  	s15 =	simm.s32 $0xE0;
	s16 =	simm.s32 $0x700;
	[sflag:s21] =	ssyncset.done $0x0  }
.LBB2_9:
0xde: {  	s31 =	sadd.s32 $0x70, s15  }
0xdf: {  	[sflag:s21] =	ssyncadd.s32 $0xFFFFC800;
	s3 =	smov.u32 s16;
	s6 =	sadd.s32 $0x380, s16  }
0xe0: {  	[tilespmem:s29], [sflag:$0x2] =	stream.indirect.gather [hbm4b:s1+s28], $0x80, s31, s28, $0xb8;
	[tilespmem:$0x1F6A0] =	vst v63  }
0xe1: {  	p2 =	sne.s32 s16, $0x9680;
	_ =	swait.ge [sflag:s24], $0x3800  }
0xe2: {  	[sflag:s24] =	ssyncset.done $0x0  }
0xe3: {  	s16 =	sadd.s32 $0x26F0, s15;
	[sflag:s24] =	ssyncadd.s32 $0xFFFFC800  }
0xe4: {  	[spmem:s4] =	stream.indirect.scatter.add.f32 [tilespmem:s23], [sflag:$0x4], $0x80, s16, s28, $0xb8;
	[tilespmem:$0x1F6A0] =	vst v63  }
0xe5: {  	_ =	swait.ge [sflag:s21], $0x3800  }
0xe6: {  	[sflag:s21] =	ssyncset.done $0x0  }
0xe7: {  	s16 =	sadd.s32 $0xE0, s15;
	[sflag:s21] =	ssyncadd.s32 $0xFFFFC800  }
0xe8: {  	[tilespmem:s23], [sflag:$0x1] =	stream.indirect.gather [hbm4b:s1+s28], $0x80, s16, s28, $0xb8;
	[tilespmem:$0x1F6A0] =	vst v63  }
0xe9: {  	_ =	swait.ge [sflag:s25], $0x3800  }
.Ltmp10:
0xea: {  	[sflag:s25] =	ssyncset.done $0x0;
	(pc) =	sbr.rel @p2 .LBB2_9-.Ltmp10, $4  }
0xeb: {  	s15 =	sadd.s32 $0x2760, s15;
	[sflag:s25] =	ssyncadd.s32 $0xFFFFC800  }
0xec: {  	[spmem:s4] =	stream.indirect.scatter.add.f32 [tilespmem:s29], [sflag:$0x4], $0x80, s15, s28, $0xb8;
	[tilespmem:$0x1F6A0] =	vst v63  }
0xed: {  	_ =	swait.ge [sflag:s21], $0x3800  }
0xee: {  	s16 =	smov.u32 s6;
	s15 =	sshra.s32 s3, $0x2;
	[sflag:s21] =	ssyncset.done $0x0  }
.Ltmp11:
0xef: {  	_ = 	snop;
	(pc) =	sbr.rel .LBB2_10-.Ltmp11, $1  }
0xf0: {  	_ =	sdelay $0x3  }
.LBB2_15:
0xf1: {  	_ =	sfence.sel $0x180000  }
0xf2: {  	[bflag:$0x0] =	sbarrier.arrive $0xFFFF  }
0xf3: {  	_ =	strace $0x90000047  }
0xf4: {  	s0 =	stileid.u32;
	[bflag:$0x2] =	sbarrier.arrive $0xFFFF  }
0xf5: {  	p0 =	sne.s32 s0, $0x0;
	s0 =	rddreg [dreg:$0x6]  }
0xf6: {  	s0 =	sadd.s32 @!p0 $0x100000, s0  }
0xf7: {  	[sflag:s0] =	ssyncadd.tile.s32 @!p0 $0x1;
	_ =	shalt  }
.Lfunc_end2:
_tile_overlayer_lowered:
.L_overlay_start_2:
0xf8: {  	(tag) =	ssettag $0x2  }
0xf9: {  	s0 =	rddreg [dreg:$0x0];
	s2 =	stileid.u32  }
0xfa: {  	s1 =	rddreg [dreg:$0x1];
	p0 =	sne.s32 s2, $0x0  }
0xfb: {  	s3 =	rddreg [dreg:$0x2];
	[bflag:$0x3] =	sbarrier.arrive $0xFFFF;
	s2 =	simm.s32 @!p0 $0x1C04  }
0xfc: {  	[timem:s3], [sflag:s2] =	dma.local @!p0 [hbm:s0], s1  }
0xfd: {  	s0 =	simm.s32 @!p0 $0x4  }
0xfe: {  	_ =	swait.ge @!p0 [sflag:s0], s1  }
0xff: {  	s1 =	ssub.s32 @!p0 $0x0, s1;
	[sflag:s0] =	ssyncset.done @!p0 $0x0  }
0x100: {  	[sflag:s0] =	ssyncadd.s32 @!p0 s1  }
0x101: {  	[bflag:$0x3] =	sbarrier.arrive $0xFFFF  }
0x102: {  	_ =	shalt  }

</sc_bundles>
